<compile_context>
chip_gen: v7x
topology: tpu7x:2x2x1
jax: 0.10.2.dev20260603
libtpu: 0.0.44.dev20260713+nightly
codegen_flags: <defaults>
</compile_context>

<pallas_src>
import functools

import jax
import jax.numpy as jnp
from jax import lax
from jax.experimental import pallas as pl
from jax.experimental.pallas import tpu as pltpu
from jax.experimental.pallas import tpu_sc as plsc

_BATCH = 16384
_NROWS = 100000
_NPAD = 100096
_DPAD = 8
_D_IN = 6
_D_OUT = 7
_NC = 2
_NS = 16
_L = 16
_NW = _NC * _NS
_BPW = _BATCH // _NW


@functools.lru_cache(maxsize=1)
def _build():
    mesh = plsc.VectorSubcoreMesh(core_axis_name="c", subcore_axis_name="s")
    f32 = jnp.float32
    i32 = jnp.int32

    @functools.partial(
        pl.kernel,
        mesh=mesh,
        out_type=jax.ShapeDtypeStruct((_D_OUT * _BATCH,), f32),
        scratch_types=[
            pltpu.VMEM((_BPW,), i32),
            [pltpu.VMEM((_BPW,), f32) for _ in range(_D_IN)],
            [pltpu.VMEM((_BPW,), f32) for _ in range(_D_OUT)],
            pltpu.SemaphoreType.DMA,
        ],
    )
    def se3_gather_exp(idx_hbm, pose_hbm, out_hbm, idx_v, cols_v, outs_v, sem):
        wid = lax.axis_index("s") * _NC + lax.axis_index("c")
        base = wid * _BPW
        half = _BPW // 2
        pltpu.sync_copy(idx_hbm.at[pl.ds(base, _BPW)], idx_v)
        copies = []
        for lo in (0, half):
            idx_w = idx_v.at[pl.ds(lo, half)]
            copies.append([
                pltpu.async_copy(
                    pose_hbm.at[pl.ds(j * _NPAD, _NPAD)].at[idx_w],
                    cols_v[j].at[pl.ds(lo, half)],
                    sem,
                )
                for j in range(_D_IN)
            ])

        def step(i, carry):
            s = pl.ds(i * _L, _L)
            tx, ty, tz = cols_v[0][s], cols_v[1][s], cols_v[2][s]
            px, py, pz = cols_v[3][s], cols_v[4][s], cols_v[5][s]

            t2 = px * px + py * py + pz * pz

            def poly(k0, k1, k2, k3):
                return f32(k0) + t2 * (f32(k1) + t2 * (f32(k2) + t2 * f32(k3)))

            sh = poly(0.5, -1 / 48, 1 / 3840, -1 / 645120)
            qw = poly(1.0, -1 / 8, 1 / 384, -1 / 46080)
            a = poly(0.5, -1 / 24, 1 / 720, -1 / 40320)
            b = poly(1 / 6, -1 / 120, 1 / 5040, -1 / 362880)

            r1x = py * tz - pz * ty
            r1y = pz * tx - px * tz
            r1z = px * ty - py * tx
            r2x = py * r1z - pz * r1y
            r2y = pz * r1x - px * r1z
            r2z = px * r1y - py * r1x

            outs_v[0][s] = tx + a * r1x + b * r2x
            outs_v[1][s] = ty + a * r1y + b * r2y
            outs_v[2][s] = tz + a * r1z + b * r2z
            outs_v[3][s] = px * sh
            outs_v[4][s] = py * sh
            outs_v[5][s] = pz * sh
            outs_v[6][s] = qw
            return carry

        nh = half // _L
        out_copies = []
        for k, lo in enumerate((0, half)):
            for c in copies[k]:
                c.wait()
            lax.fori_loop(k * nh, (k + 1) * nh, step, 0)
            out_copies += [
                pltpu.async_copy(
                    outs_v[j].at[pl.ds(lo, half)],
                    out_hbm.at[pl.ds(j * _BATCH + base + lo, half)],
                    sem,
                )
                for j in range(_D_OUT)
            ]
        for c in out_copies:
            c.wait()

    return se3_gather_exp


def kernel(indices, pose_adjustment):
    pose_p = jnp.pad(pose_adjustment, ((0, _NPAD - _NROWS), (0, _DPAD - _D_IN)))
    pose_cm = lax.reshape(pose_p, (_NPAD * _DPAD,), dimensions=(1, 0))
    out_cm = _build()(indices.astype(jnp.int32), pose_cm)
    return out_cm.reshape(_D_OUT, _BATCH).T

# --- scband reference (transcript-rebuilt; emitter-appended) ---
"""Pipeline reference for scband-spline-optimizer-4063039062698 (READ-ONLY COPY).

The authoritative reference and input builder live on the scoring server;
editing this copy changes nothing except your own understanding.
"""

import jax, jax.numpy as jnp
import numpy as np

NUM_CAMERAS = 100000
BATCH = 16384
SIGMA = 1e-05


def _skew(v):
    x, y, z = v[..., 0], v[..., 1], v[..., 2]
    zero = jnp.zeros_like(x)
    return jnp.stack([
        jnp.stack([zero, -z, y], axis=-1),
        jnp.stack([z, zero, -x], axis=-1),
        jnp.stack([-y, x, zero], axis=-1),
    ], axis=-2)


def se3_exp(xi):
    """pypose-convention se(3) Exp: xi = [tau(3), phi(3)] -> SE3 7-vector [t(3), qx, qy, qz, qw]."""
    tau = xi[..., :3]
    phi = xi[..., 3:]
    theta2 = jnp.sum(phi * phi, axis=-1, keepdims=True)
    theta = jnp.sqrt(theta2)
    small = theta < 1e-6
    safe_theta = jnp.where(small, jnp.ones_like(theta), theta)
    safe_theta2 = jnp.where(small, jnp.ones_like(theta2), theta2)
    half = 0.5 * theta
    # quaternion from axis-angle: q_xyz = phi * sin(theta/2)/theta, q_w = cos(theta/2)
    sinc_half = jnp.where(small, 0.5 - theta2 / 48.0, jnp.sin(half) / safe_theta)
    q_xyz = phi * sinc_half
    q_w = jnp.cos(half)
    # left Jacobian of SO(3): V = I + A*[phi]_x + B*[phi]_x^2
    A = jnp.where(small, 0.5 - theta2 / 24.0, (1.0 - jnp.cos(theta)) / safe_theta2)
    B = jnp.where(small, 1.0 / 6.0 - theta2 / 120.0, (theta - jnp.sin(theta)) / (safe_theta2 * safe_theta))
    K = _skew(phi)
    I = jnp.eye(3, dtype=xi.dtype)
    V = I + A[..., None] * K + B[..., None] * (K @ K)
    t = jnp.einsum('...ij,...j->...i', V, tau)
    return jnp.concatenate([t, q_xyz, q_w], axis=-1)


def setup_inputs(seed: int = 0) -> dict:
    key = jax.random.key(seed)
    k_idx, k_pose = jax.random.split(key)
    indices = jax.random.randint(k_idx, (BATCH,), 0, NUM_CAMERAS, dtype=jnp.int64 if jax.config.jax_enable_x64 else jnp.int32)
    pose_adjustment = SIGMA * jax.random.normal(k_pose, (NUM_CAMERAS, 6), dtype=jnp.float32)
    return {"indices": indices, "pose_adjustment": pose_adjustment}


def reference(indices, pose_adjustment):
    indices = indices.astype(jnp.int32)
    unique_indices, lut = jnp.unique(indices, return_inverse=True, size=indices.shape[0], fill_value=0)
    camera_opt = se3_exp(pose_adjustment[unique_indices])
    return camera_opt[lut.reshape(-1)]

if __name__ == "__main__":
    import jax
    _d = setup_inputs()
    print(jax.jit(kernel)(*tuple(_d.values())))

</pallas_src>

<mosaic_0001>
#map = affine_map<(d0, d1) -> (0)>
module attributes {stable_mosaic.version = 14 : i64} {
  func.func @se3_gather_exp(%arg0: i32, %arg1: i32, %arg2: memref<16384xi32, #tpu.memory_space<hbm>>, %arg3: memref<800768xf32, #tpu.memory_space<hbm>>, %arg4: memref<114688xf32, #tpu.memory_space<hbm>>, %arg5: memref<512xi32, #tpu.memory_space<vmem>>, %arg6: memref<512xf32, #tpu.memory_space<vmem>>, %arg7: memref<512xf32, #tpu.memory_space<vmem>>, %arg8: memref<512xf32, #tpu.memory_space<vmem>>, %arg9: memref<512xf32, #tpu.memory_space<vmem>>, %arg10: memref<512xf32, #tpu.memory_space<vmem>>, %arg11: memref<512xf32, #tpu.memory_space<vmem>>, %arg12: memref<512xf32, #tpu.memory_space<vmem>>, %arg13: memref<512xf32, #tpu.memory_space<vmem>>, %arg14: memref<512xf32, #tpu.memory_space<vmem>>, %arg15: memref<512xf32, #tpu.memory_space<vmem>>, %arg16: memref<512xf32, #tpu.memory_space<vmem>>, %arg17: memref<512xf32, #tpu.memory_space<vmem>>, %arg18: memref<512xf32, #tpu.memory_space<vmem>>, %arg19: memref<!tpu.dma_semaphore, #tpu.memory_space<semaphore_mem>>) attributes {dimension_semantics = [#tpu.dimension_semantics<core_parallel>, #tpu.dimension_semantics<subcore_parallel>], iteration_bounds = array<i64: 2, 16>, scalar_prefetch = 0 : i64, scratch_operands = 15 : i64, tpu.core_type = #tpu.core_type<sc_vector_subcore>, window_params = [{transform_indices = #map}, {transform_indices = #map}, {transform_indices = #map}]} {
    %mul3A = arith.constant 2 : i32
    %mul3A_0 = arith.muli %arg1, %mul3A : i32
    %add3A = arith.addi %mul3A_0, %arg0 : i32
    %mul3A_1 = arith.constant 512 : i32
    %mul3A_2 = arith.muli %add3A, %mul3A_1 : i32
    "tpu.region"() ({
      %run_scoped3A = tpu.sem_alloc : memref<!tpu.dma_semaphore, #tpu.memory_space<semaphore_mem>>
      %dma_start3A_428 = tpu.memref_slice %arg2[%mul3A_2] : memref<16384xi32, #tpu.memory_space<hbm>> -> memref<512xi32, #tpu.memory_space<hbm>>
      %dma_start3A_429 = tpu.memref_slice %arg2[%mul3A_2] : memref<16384xi32, #tpu.memory_space<hbm>> -> memref<512xi32, #tpu.memory_space<hbm>>
      tpu.enqueue_dma source(%dma_start3A_429 : memref<512xi32, #tpu.memory_space<hbm>>) target(%arg5 : memref<512xi32, #tpu.memory_space<vmem>>) target_semaphore(%run_scoped3A : memref<!tpu.dma_semaphore, #tpu.memory_space<semaphore_mem>>)
      %dma_wait3A_430 = tpu.memref_slice %arg2[%mul3A_2] : memref<16384xi32, #tpu.memory_space<hbm>> -> memref<512xi32, #tpu.memory_space<hbm>>
      %dma_wait3A_431 = tpu.memref_slice %arg2[%mul3A_2] : memref<16384xi32, #tpu.memory_space<hbm>> -> memref<512xi32, #tpu.memory_space<hbm>>
      tpu.wait_dma2 semaphore(%run_scoped3A : memref<!tpu.dma_semaphore, #tpu.memory_space<semaphore_mem>>) src(%dma_wait3A_431 : memref<512xi32, #tpu.memory_space<hbm>>) dst(%arg5 : memref<512xi32, #tpu.memory_space<vmem>>)
      tpu.yield
    }) : () -> ()
    %dma_start3A = arith.constant 0 : i32
    %dma_start3A_3 = tpu.memref_slice %arg6[%dma_start3A] : memref<512xf32, #tpu.memory_space<vmem>> -> memref<256xf32, #tpu.memory_space<vmem>>
    %dma_start3A_4 = arith.constant 0 : i32
    %dma_start3A_5 = tpu.memref_slice %arg5[%dma_start3A_4] : memref<512xi32, #tpu.memory_space<vmem>> -> memref<256xi32, #tpu.memory_space<vmem>>
    %dma_start3A_6 = arith.constant 0 : i32
    %dma_start3A_7 = tpu.memref_slice %arg3[%dma_start3A_6] : memref<800768xf32, #tpu.memory_space<hbm>> -> memref<100096xf32, #tpu.memory_space<hbm>>
    %dma_start3A_8 = arith.constant 0 : i32
    %dma_start3A_9 = tpu.memref_slice %dma_start3A_7[%dma_start3A_8] : memref<100096xf32, #tpu.memory_space<hbm>> -> memref<100096xf32, #tpu.memory_space<hbm>>
    tpu.enqueue_indirect_dma source(%dma_start3A_9 : memref<100096xf32, #tpu.memory_space<hbm>>) target(%dma_start3A_3 : memref<256xf32, #tpu.memory_space<vmem>>) offsets(%dma_start3A_5 : memref<256xi32, #tpu.memory_space<vmem>>) semaphore(%arg19 : memref<!tpu.dma_semaphore, #tpu.memory_space<semaphore_mem>>)
    %dma_start3A_10 = arith.constant 0 : i32
    %dma_start3A_11 = tpu.memref_slice %arg7[%dma_start3A_10] : memref<512xf32, #tpu.memory_space<vmem>> -> memref<256xf32, #tpu.memory_space<vmem>>
    %dma_start3A_12 = arith.constant 0 : i32
    %dma_start3A_13 = tpu.memref_slice %arg5[%dma_start3A_12] : memref<512xi32, #tpu.memory_space<vmem>> -> memref<256xi32, #tpu.memory_space<vmem>>
    %dma_start3A_14 = arith.constant 100096 : i32
    %dma_start3A_15 = tpu.memref_slice %arg3[%dma_start3A_14] : memref<800768xf32, #tpu.memory_space<hbm>> -> memref<100096xf32, #tpu.memory_space<hbm>>
    %dma_start3A_16 = arith.constant 0 : i32
    %dma_start3A_17 = tpu.memref_slice %dma_start3A_15[%dma_start3A_16] : memref<100096xf32, #tpu.memory_space<hbm>> -> memref<100096xf32, #tpu.memory_space<hbm>>
    tpu.enqueue_indirect_dma source(%dma_start3A_17 : memref<100096xf32, #tpu.memory_space<hbm>>) target(%dma_start3A_11 : memref<256xf32, #tpu.memory_space<vmem>>) offsets(%dma_start3A_13 : memref<256xi32, #tpu.memory_space<vmem>>) semaphore(%arg19 : memref<!tpu.dma_semaphore, #tpu.memory_space<semaphore_mem>>)
    %dma_start3A_18 = arith.constant 0 : i32
    %dma_start3A_19 = tpu.memref_slice %arg8[%dma_start3A_18] : memref<512xf32, #tpu.memory_space<vmem>> -> memref<256xf32, #tpu.memory_space<vmem>>
    %dma_start3A_20 = arith.constant 0 : i32
    %dma_start3A_21 = tpu.memref_slice %arg5[%dma_start3A_20] : memref<512xi32, #tpu.memory_space<vmem>> -> memref<256xi32, #tpu.memory_space<vmem>>
    %dma_start3A_22 = arith.constant 200192 : i32
    %dma_start3A_23 = tpu.memref_slice %arg3[%dma_start3A_22] : memref<800768xf32, #tpu.memory_space<hbm>> -> memref<100096xf32, #tpu.memory_space<hbm>>
    %dma_start3A_24 = arith.constant 0 : i32
    %dma_start3A_25 = tpu.memref_slice %dma_start3A_23[%dma_start3A_24] : memref<100096xf32, #tpu.memory_space<hbm>> -> memref<100096xf32, #tpu.memory_space<hbm>>
    tpu.enqueue_indirect_dma source(%dma_start3A_25 : memref<100096xf32, #tpu.memory_space<hbm>>) target(%dma_start3A_19 : memref<256xf32, #tpu.memory_space<vmem>>) offsets(%dma_start3A_21 : memref<256xi32, #tpu.memory_space<vmem>>) semaphore(%arg19 : memref<!tpu.dma_semaphore, #tpu.memory_space<semaphore_mem>>)
    %dma_start3A_26 = arith.constant 0 : i32
    %dma_start3A_27 = tpu.memref_slice %arg9[%dma_start3A_26] : memref<512xf32, #tpu.memory_space<vmem>> -> memref<256xf32, #tpu.memory_space<vmem>>
    %dma_start3A_28 = arith.constant 0 : i32
    %dma_start3A_29 = tpu.memref_slice %arg5[%dma_start3A_28] : memref<512xi32, #tpu.memory_space<vmem>> -> memref<256xi32, #tpu.memory_space<vmem>>
    %dma_start3A_30 = arith.constant 300288 : i32
    %dma_start3A_31 = tpu.memref_slice %arg3[%dma_start3A_30] : memref<800768xf32, #tpu.memory_space<hbm>> -> memref<100096xf32, #tpu.memory_space<hbm>>
    %dma_start3A_32 = arith.constant 0 : i32
    %dma_start3A_33 = tpu.memref_slice %dma_start3A_31[%dma_start3A_32] : memref<100096xf32, #tpu.memory_space<hbm>> -> memref<100096xf32, #tpu.memory_space<hbm>>
    tpu.enqueue_indirect_dma source(%dma_start3A_33 : memref<100096xf32, #tpu.memory_space<hbm>>) target(%dma_start3A_27 : memref<256xf32, #tpu.memory_space<vmem>>) offsets(%dma_start3A_29 : memref<256xi32, #tpu.memory_space<vmem>>) semaphore(%arg19 : memref<!tpu.dma_semaphore, #tpu.memory_space<semaphore_mem>>)
    %dma_start3A_34 = arith.constant 0 : i32
    %dma_start3A_35 = tpu.memref_slice %arg10[%dma_start3A_34] : memref<512xf32, #tpu.memory_space<vmem>> -> memref<256xf32, #tpu.memory_space<vmem>>
    %dma_start3A_36 = arith.constant 0 : i32
    %dma_start3A_37 = tpu.memref_slice %arg5[%dma_start3A_36] : memref<512xi32, #tpu.memory_space<vmem>> -> memref<256xi32, #tpu.memory_space<vmem>>
    %dma_start3A_38 = arith.constant 400384 : i32
    %dma_start3A_39 = tpu.memref_slice %arg3[%dma_start3A_38] : memref<800768xf32, #tpu.memory_space<hbm>> -> memref<100096xf32, #tpu.memory_space<hbm>>
    %dma_start3A_40 = arith.constant 0 : i32
    %dma_start3A_41 = tpu.memref_slice %dma_start3A_39[%dma_start3A_40] : memref<100096xf32, #tpu.memory_space<hbm>> -> memref<100096xf32, #tpu.memory_space<hbm>>
    tpu.enqueue_indirect_dma source(%dma_start3A_41 : memref<100096xf32, #tpu.memory_space<hbm>>) target(%dma_start3A_35 : memref<256xf32, #tpu.memory_space<vmem>>) offsets(%dma_start3A_37 : memref<256xi32, #tpu.memory_space<vmem>>) semaphore(%arg19 : memref<!tpu.dma_semaphore, #tpu.memory_space<semaphore_mem>>)
    %dma_start3A_42 = arith.constant 0 : i32
    %dma_start3A_43 = tpu.memref_slice %arg11[%dma_start3A_42] : memref<512xf32, #tpu.memory_space<vmem>> -> memref<256xf32, #tpu.memory_space<vmem>>
    %dma_start3A_44 = arith.constant 0 : i32
    %dma_start3A_45 = tpu.memref_slice %arg5[%dma_start3A_44] : memref<512xi32, #tpu.memory_space<vmem>> -> memref<256xi32, #tpu.memory_space<vmem>>
    %dma_start3A_46 = arith.constant 500480 : i32
    %dma_start3A_47 = tpu.memref_slice %arg3[%dma_start3A_46] : memref<800768xf32, #tpu.memory_space<hbm>> -> memref<100096xf32, #tpu.memory_space<hbm>>
    %dma_start3A_48 = arith.constant 0 : i32
    %dma_start3A_49 = tpu.memref_slice %dma_start3A_47[%dma_start3A_48] : memref<100096xf32, #tpu.memory_space<hbm>> -> memref<100096xf32, #tpu.memory_space<hbm>>
    tpu.enqueue_indirect_dma source(%dma_start3A_49 : memref<100096xf32, #tpu.memory_space<hbm>>) target(%dma_start3A_43 : memref<256xf32, #tpu.memory_space<vmem>>) offsets(%dma_start3A_45 : memref<256xi32, #tpu.memory_space<vmem>>) semaphore(%arg19 : memref<!tpu.dma_semaphore, #tpu.memory_space<semaphore_mem>>)
    %dma_start3A_50 = arith.constant 256 : i32
    %dma_start3A_51 = tpu.memref_slice %arg6[%dma_start3A_50] : memref<512xf32, #tpu.memory_space<vmem>> -> memref<256xf32, #tpu.memory_space<vmem>>
    %dma_start3A_52 = arith.constant 256 : i32
    %dma_start3A_53 = tpu.memref_slice %arg5[%dma_start3A_52] : memref<512xi32, #tpu.memory_space<vmem>> -> memref<256xi32, #tpu.memory_space<vmem>>
    %dma_start3A_54 = arith.constant 0 : i32
    %dma_start3A_55 = tpu.memref_slice %arg3[%dma_start3A_54] : memref<800768xf32, #tpu.memory_space<hbm>> -> memref<100096xf32, #tpu.memory_space<hbm>>
    %dma_start3A_56 = arith.constant 0 : i32
    %dma_start3A_57 = tpu.memref_slice %dma_start3A_55[%dma_start3A_56] : memref<100096xf32, #tpu.memory_space<hbm>> -> memref<100096xf32, #tpu.memory_space<hbm>>
    tpu.enqueue_indirect_dma source(%dma_start3A_57 : memref<100096xf32, #tpu.memory_space<hbm>>) target(%dma_start3A_51 : memref<256xf32, #tpu.memory_space<vmem>>) offsets(%dma_start3A_53 : memref<256xi32, #tpu.memory_space<vmem>>) semaphore(%arg19 : memref<!tpu.dma_semaphore, #tpu.memory_space<semaphore_mem>>)
    %dma_start3A_58 = arith.constant 256 : i32
    %dma_start3A_59 = tpu.memref_slice %arg7[%dma_start3A_58] : memref<512xf32, #tpu.memory_space<vmem>> -> memref<256xf32, #tpu.memory_space<vmem>>
    %dma_start3A_60 = arith.constant 256 : i32
    %dma_start3A_61 = tpu.memref_slice %arg5[%dma_start3A_60] : memref<512xi32, #tpu.memory_space<vmem>> -> memref<256xi32, #tpu.memory_space<vmem>>
    %dma_start3A_62 = arith.constant 100096 : i32
    %dma_start3A_63 = tpu.memref_slice %arg3[%dma_start3A_62] : memref<800768xf32, #tpu.memory_space<hbm>> -> memref<100096xf32, #tpu.memory_space<hbm>>
    %dma_start3A_64 = arith.constant 0 : i32
    %dma_start3A_65 = tpu.memref_slice %dma_start3A_63[%dma_start3A_64] : memref<100096xf32, #tpu.memory_space<hbm>> -> memref<100096xf32, #tpu.memory_space<hbm>>
    tpu.enqueue_indirect_dma source(%dma_start3A_65 : memref<100096xf32, #tpu.memory_space<hbm>>) target(%dma_start3A_59 : memref<256xf32, #tpu.memory_space<vmem>>) offsets(%dma_start3A_61 : memref<256xi32, #tpu.memory_space<vmem>>) semaphore(%arg19 : memref<!tpu.dma_semaphore, #tpu.memory_space<semaphore_mem>>)
    %dma_start3A_66 = arith.constant 256 : i32
    %dma_start3A_67 = tpu.memref_slice %arg8[%dma_start3A_66] : memref<512xf32, #tpu.memory_space<vmem>> -> memref<256xf32, #tpu.memory_space<vmem>>
    %dma_start3A_68 = arith.constant 256 : i32
    %dma_start3A_69 = tpu.memref_slice %arg5[%dma_start3A_68] : memref<512xi32, #tpu.memory_space<vmem>> -> memref<256xi32, #tpu.memory_space<vmem>>
    %dma_start3A_70 = arith.constant 200192 : i32
    %dma_start3A_71 = tpu.memref_slice %arg3[%dma_start3A_70] : memref<800768xf32, #tpu.memory_space<hbm>> -> memref<100096xf32, #tpu.memory_space<hbm>>
    %dma_start3A_72 = arith.constant 0 : i32
    %dma_start3A_73 = tpu.memref_slice %dma_start3A_71[%dma_start3A_72] : memref<100096xf32, #tpu.memory_space<hbm>> -> memref<100096xf32, #tpu.memory_space<hbm>>
    tpu.enqueue_indirect_dma source(%dma_start3A_73 : memref<100096xf32, #tpu.memory_space<hbm>>) target(%dma_start3A_67 : memref<256xf32, #tpu.memory_space<vmem>>) offsets(%dma_start3A_69 : memref<256xi32, #tpu.memory_space<vmem>>) semaphore(%arg19 : memref<!tpu.dma_semaphore, #tpu.memory_space<semaphore_mem>>)
    %dma_start3A_74 = arith.constant 256 : i32
    %dma_start3A_75 = tpu.memref_slice %arg9[%dma_start3A_74] : memref<512xf32, #tpu.memory_space<vmem>> -> memref<256xf32, #tpu.memory_space<vmem>>
    %dma_start3A_76 = arith.constant 256 : i32
    %dma_start3A_77 = tpu.memref_slice %arg5[%dma_start3A_76] : memref<512xi32, #tpu.memory_space<vmem>> -> memref<256xi32, #tpu.memory_space<vmem>>
    %dma_start3A_78 = arith.constant 300288 : i32
    %dma_start3A_79 = tpu.memref_slice %arg3[%dma_start3A_78] : memref<800768xf32, #tpu.memory_space<hbm>> -> memref<100096xf32, #tpu.memory_space<hbm>>
    %dma_start3A_80 = arith.constant 0 : i32
    %dma_start3A_81 = tpu.memref_slice %dma_start3A_79[%dma_start3A_80] : memref<100096xf32, #tpu.memory_space<hbm>> -> memref<100096xf32, #tpu.memory_space<hbm>>
    tpu.enqueue_indirect_dma source(%dma_start3A_81 : memref<100096xf32, #tpu.memory_space<hbm>>) target(%dma_start3A_75 : memref<256xf32, #tpu.memory_space<vmem>>) offsets(%dma_start3A_77 : memref<256xi32, #tpu.memory_space<vmem>>) semaphore(%arg19 : memref<!tpu.dma_semaphore, #tpu.memory_space<semaphore_mem>>)
    %dma_start3A_82 = arith.constant 256 : i32
    %dma_start3A_83 = tpu.memref_slice %arg10[%dma_start3A_82] : memref<512xf32, #tpu.memory_space<vmem>> -> memref<256xf32, #tpu.memory_space<vmem>>
    %dma_start3A_84 = arith.constant 256 : i32
    %dma_start3A_85 = tpu.memref_slice %arg5[%dma_start3A_84] : memref<512xi32, #tpu.memory_space<vmem>> -> memref<256xi32, #tpu.memory_space<vmem>>
    %dma_start3A_86 = arith.constant 400384 : i32
    %dma_start3A_87 = tpu.memref_slice %arg3[%dma_start3A_86] : memref<800768xf32, #tpu.memory_space<hbm>> -> memref<100096xf32, #tpu.memory_space<hbm>>
    %dma_start3A_88 = arith.constant 0 : i32
    %dma_start3A_89 = tpu.memref_slice %dma_start3A_87[%dma_start3A_88] : memref<100096xf32, #tpu.memory_space<hbm>> -> memref<100096xf32, #tpu.memory_space<hbm>>
    tpu.enqueue_indirect_dma source(%dma_start3A_89 : memref<100096xf32, #tpu.memory_space<hbm>>) target(%dma_start3A_83 : memref<256xf32, #tpu.memory_space<vmem>>) offsets(%dma_start3A_85 : memref<256xi32, #tpu.memory_space<vmem>>) semaphore(%arg19 : memref<!tpu.dma_semaphore, #tpu.memory_space<semaphore_mem>>)
    %dma_start3A_90 = arith.constant 256 : i32
    %dma_start3A_91 = tpu.memref_slice %arg11[%dma_start3A_90] : memref<512xf32, #tpu.memory_space<vmem>> -> memref<256xf32, #tpu.memory_space<vmem>>
    %dma_start3A_92 = arith.constant 256 : i32
    %dma_start3A_93 = tpu.memref_slice %arg5[%dma_start3A_92] : memref<512xi32, #tpu.memory_space<vmem>> -> memref<256xi32, #tpu.memory_space<vmem>>
    %dma_start3A_94 = arith.constant 500480 : i32
    %dma_start3A_95 = tpu.memref_slice %arg3[%dma_start3A_94] : memref<800768xf32, #tpu.memory_space<hbm>> -> memref<100096xf32, #tpu.memory_space<hbm>>
    %dma_start3A_96 = arith.constant 0 : i32
    %dma_start3A_97 = tpu.memref_slice %dma_start3A_95[%dma_start3A_96] : memref<100096xf32, #tpu.memory_space<hbm>> -> memref<100096xf32, #tpu.memory_space<hbm>>
    tpu.enqueue_indirect_dma source(%dma_start3A_97 : memref<100096xf32, #tpu.memory_space<hbm>>) target(%dma_start3A_91 : memref<256xf32, #tpu.memory_space<vmem>>) offsets(%dma_start3A_93 : memref<256xi32, #tpu.memory_space<vmem>>) semaphore(%arg19 : memref<!tpu.dma_semaphore, #tpu.memory_space<semaphore_mem>>)
    %dma_wait3A = arith.constant 0 : i32
    %dma_wait3A_98 = tpu.memref_slice %arg6[%dma_wait3A] : memref<512xf32, #tpu.memory_space<vmem>> -> memref<256xf32, #tpu.memory_space<vmem>>
    %dma_wait3A_99 = arith.constant 0 : i32
    %dma_wait3A_100 = tpu.memref_slice %arg5[%dma_wait3A_99] : memref<512xi32, #tpu.memory_space<vmem>> -> memref<256xi32, #tpu.memory_space<vmem>>
    %dma_wait3A_101 = arith.constant 0 : i32
    %dma_wait3A_102 = tpu.memref_slice %arg3[%dma_wait3A_101] : memref<800768xf32, #tpu.memory_space<hbm>> -> memref<100096xf32, #tpu.memory_space<hbm>>
    %dma_wait3A_103 = arith.constant 0 : i32
    %dma_wait3A_104 = tpu.memref_slice %dma_wait3A_102[%dma_wait3A_103] : memref<100096xf32, #tpu.memory_space<hbm>> -> memref<100096xf32, #tpu.memory_space<hbm>>
    tpu.wait_indirect_dma semaphore(%arg19 : memref<!tpu.dma_semaphore, #tpu.memory_space<semaphore_mem>>) src(%dma_wait3A_104 : memref<100096xf32, #tpu.memory_space<hbm>>) dst(%dma_wait3A_98 : memref<256xf32, #tpu.memory_space<vmem>>)
    %dma_wait3A_105 = arith.constant 0 : i32
    %dma_wait3A_106 = tpu.memref_slice %arg7[%dma_wait3A_105] : memref<512xf32, #tpu.memory_space<vmem>> -> memref<256xf32, #tpu.memory_space<vmem>>
    %dma_wait3A_107 = arith.constant 0 : i32
    %dma_wait3A_108 = tpu.memref_slice %arg5[%dma_wait3A_107] : memref<512xi32, #tpu.memory_space<vmem>> -> memref<256xi32, #tpu.memory_space<vmem>>
    %dma_wait3A_109 = arith.constant 100096 : i32
    %dma_wait3A_110 = tpu.memref_slice %arg3[%dma_wait3A_109] : memref<800768xf32, #tpu.memory_space<hbm>> -> memref<100096xf32, #tpu.memory_space<hbm>>
    %dma_wait3A_111 = arith.constant 0 : i32
    %dma_wait3A_112 = tpu.memref_slice %dma_wait3A_110[%dma_wait3A_111] : memref<100096xf32, #tpu.memory_space<hbm>> -> memref<100096xf32, #tpu.memory_space<hbm>>
    tpu.wait_indirect_dma semaphore(%arg19 : memref<!tpu.dma_semaphore, #tpu.memory_space<semaphore_mem>>) src(%dma_wait3A_112 : memref<100096xf32, #tpu.memory_space<hbm>>) dst(%dma_wait3A_106 : memref<256xf32, #tpu.memory_space<vmem>>)
    %dma_wait3A_113 = arith.constant 0 : i32
    %dma_wait3A_114 = tpu.memref_slice %arg8[%dma_wait3A_113] : memref<512xf32, #tpu.memory_space<vmem>> -> memref<256xf32, #tpu.memory_space<vmem>>
    %dma_wait3A_115 = arith.constant 0 : i32
    %dma_wait3A_116 = tpu.memref_slice %arg5[%dma_wait3A_115] : memref<512xi32, #tpu.memory_space<vmem>> -> memref<256xi32, #tpu.memory_space<vmem>>
    %dma_wait3A_117 = arith.constant 200192 : i32
    %dma_wait3A_118 = tpu.memref_slice %arg3[%dma_wait3A_117] : memref<800768xf32, #tpu.memory_space<hbm>> -> memref<100096xf32, #tpu.memory_space<hbm>>
    %dma_wait3A_119 = arith.constant 0 : i32
    %dma_wait3A_120 = tpu.memref_slice %dma_wait3A_118[%dma_wait3A_119] : memref<100096xf32, #tpu.memory_space<hbm>> -> memref<100096xf32, #tpu.memory_space<hbm>>
    tpu.wait_indirect_dma semaphore(%arg19 : memref<!tpu.dma_semaphore, #tpu.memory_space<semaphore_mem>>) src(%dma_wait3A_120 : memref<100096xf32, #tpu.memory_space<hbm>>) dst(%dma_wait3A_114 : memref<256xf32, #tpu.memory_space<vmem>>)
    %dma_wait3A_121 = arith.constant 0 : i32
    %dma_wait3A_122 = tpu.memref_slice %arg9[%dma_wait3A_121] : memref<512xf32, #tpu.memory_space<vmem>> -> memref<256xf32, #tpu.memory_space<vmem>>
    %dma_wait3A_123 = arith.constant 0 : i32
    %dma_wait3A_124 = tpu.memref_slice %arg5[%dma_wait3A_123] : memref<512xi32, #tpu.memory_space<vmem>> -> memref<256xi32, #tpu.memory_space<vmem>>
    %dma_wait3A_125 = arith.constant 300288 : i32
    %dma_wait3A_126 = tpu.memref_slice %arg3[%dma_wait3A_125] : memref<800768xf32, #tpu.memory_space<hbm>> -> memref<100096xf32, #tpu.memory_space<hbm>>
    %dma_wait3A_127 = arith.constant 0 : i32
    %dma_wait3A_128 = tpu.memref_slice %dma_wait3A_126[%dma_wait3A_127] : memref<100096xf32, #tpu.memory_space<hbm>> -> memref<100096xf32, #tpu.memory_space<hbm>>
    tpu.wait_indirect_dma semaphore(%arg19 : memref<!tpu.dma_semaphore, #tpu.memory_space<semaphore_mem>>) src(%dma_wait3A_128 : memref<100096xf32, #tpu.memory_space<hbm>>) dst(%dma_wait3A_122 : memref<256xf32, #tpu.memory_space<vmem>>)
    %dma_wait3A_129 = arith.constant 0 : i32
    %dma_wait3A_130 = tpu.memref_slice %arg10[%dma_wait3A_129] : memref<512xf32, #tpu.memory_space<vmem>> -> memref<256xf32, #tpu.memory_space<vmem>>
    %dma_wait3A_131 = arith.constant 0 : i32
    %dma_wait3A_132 = tpu.memref_slice %arg5[%dma_wait3A_131] : memref<512xi32, #tpu.memory_space<vmem>> -> memref<256xi32, #tpu.memory_space<vmem>>
    %dma_wait3A_133 = arith.constant 400384 : i32
    %dma_wait3A_134 = tpu.memref_slice %arg3[%dma_wait3A_133] : memref<800768xf32, #tpu.memory_space<hbm>> -> memref<100096xf32, #tpu.memory_space<hbm>>
    %dma_wait3A_135 = arith.constant 0 : i32
    %dma_wait3A_136 = tpu.memref_slice %dma_wait3A_134[%dma_wait3A_135] : memref<100096xf32, #tpu.memory_space<hbm>> -> memref<100096xf32, #tpu.memory_space<hbm>>
    tpu.wait_indirect_dma semaphore(%arg19 : memref<!tpu.dma_semaphore, #tpu.memory_space<semaphore_mem>>) src(%dma_wait3A_136 : memref<100096xf32, #tpu.memory_space<hbm>>) dst(%dma_wait3A_130 : memref<256xf32, #tpu.memory_space<vmem>>)
    %dma_wait3A_137 = arith.constant 0 : i32
    %dma_wait3A_138 = tpu.memref_slice %arg11[%dma_wait3A_137] : memref<512xf32, #tpu.memory_space<vmem>> -> memref<256xf32, #tpu.memory_space<vmem>>
    %dma_wait3A_139 = arith.constant 0 : i32
    %dma_wait3A_140 = tpu.memref_slice %arg5[%dma_wait3A_139] : memref<512xi32, #tpu.memory_space<vmem>> -> memref<256xi32, #tpu.memory_space<vmem>>
    %dma_wait3A_141 = arith.constant 500480 : i32
    %dma_wait3A_142 = tpu.memref_slice %arg3[%dma_wait3A_141] : memref<800768xf32, #tpu.memory_space<hbm>> -> memref<100096xf32, #tpu.memory_space<hbm>>
    %dma_wait3A_143 = arith.constant 0 : i32
    %dma_wait3A_144 = tpu.memref_slice %dma_wait3A_142[%dma_wait3A_143] : memref<100096xf32, #tpu.memory_space<hbm>> -> memref<100096xf32, #tpu.memory_space<hbm>>
    tpu.wait_indirect_dma semaphore(%arg19 : memref<!tpu.dma_semaphore, #tpu.memory_space<semaphore_mem>>) src(%dma_wait3A_144 : memref<100096xf32, #tpu.memory_space<hbm>>) dst(%dma_wait3A_138 : memref<256xf32, #tpu.memory_space<vmem>>)
    %scan3A = arith.constant 0 : i32
    %scan3A_145 = arith.constant 0 : i32
    %scan3A_146 = arith.constant 16 : i32
    %scan3A_147 = arith.addi %scan3A_145, %scan3A_146 : i32
    %scan3A_148 = arith.constant 1 : i32
    scf.for %scan3A_428 = %scan3A_145 to %scan3A_147 step %scan3A_148  : i32 {
      %mul3A_429 = arith.constant 16 : i32
      %mul3A_430 = arith.muli %scan3A_428, %mul3A_429 : i32
      %get3A = arith.index_cast %mul3A_430 : i32 to index
      %get3A_431 = tpu.vector_load %arg6[%get3A] {strides = array<i32>} : memref<512xf32, #tpu.memory_space<vmem>>, vector<16xf32>,
      %get3A_432 = vector.shape_cast %get3A_431 : vector<16xf32> to vector<16xf32>
      %get3A_433 = arith.index_cast %mul3A_430 : i32 to index
      %get3A_434 = tpu.vector_load %arg7[%get3A_433] {strides = array<i32>} : memref<512xf32, #tpu.memory_space<vmem>>, vector<16xf32>,
      %get3A_435 = vector.shape_cast %get3A_434 : vector<16xf32> to vector<16xf32>
      %get3A_436 = arith.index_cast %mul3A_430 : i32 to index
      %get3A_437 = tpu.vector_load %arg8[%get3A_436] {strides = array<i32>} : memref<512xf32, #tpu.memory_space<vmem>>, vector<16xf32>,
      %get3A_438 = vector.shape_cast %get3A_437 : vector<16xf32> to vector<16xf32>
      %get3A_439 = arith.index_cast %mul3A_430 : i32 to index
      %get3A_440 = tpu.vector_load %arg9[%get3A_439] {strides = array<i32>} : memref<512xf32, #tpu.memory_space<vmem>>, vector<16xf32>,
      %get3A_441 = vector.shape_cast %get3A_440 : vector<16xf32> to vector<16xf32>
      %get3A_442 = arith.index_cast %mul3A_430 : i32 to index
      %get3A_443 = tpu.vector_load %arg10[%get3A_442] {strides = array<i32>} : memref<512xf32, #tpu.memory_space<vmem>>, vector<16xf32>,
      %get3A_444 = vector.shape_cast %get3A_443 : vector<16xf32> to vector<16xf32>
      %get3A_445 = arith.index_cast %mul3A_430 : i32 to index
      %get3A_446 = tpu.vector_load %arg11[%get3A_445] {strides = array<i32>} : memref<512xf32, #tpu.memory_space<vmem>>, vector<16xf32>,
      %get3A_447 = vector.shape_cast %get3A_446 : vector<16xf32> to vector<16xf32>
      %mul3A_448 = arith.mulf %get3A_441, %get3A_441 : vector<16xf32>
      %mul3A_449 = arith.mulf %get3A_444, %get3A_444 : vector<16xf32>
      %add3A_450 = arith.addf %mul3A_448, %mul3A_449 : vector<16xf32>
      %mul3A_451 = arith.mulf %get3A_447, %get3A_447 : vector<16xf32>
      %add3A_452 = arith.addf %add3A_450, %mul3A_451 : vector<16xf32>
      %mul3A_453 = arith.constant -1.55009923E-6 : f32
      %mul3A_454 = vector.broadcast %mul3A_453 : f32 to vector<16xf32>
      %mul3A_455 = arith.mulf %add3A_452, %mul3A_454 : vector<16xf32>
      %add3A_456 = arith.constant 2.6041668E-4 : f32
      %add3A_457 = vector.broadcast %add3A_456 : f32 to vector<16xf32>
      %add3A_458 = arith.addf %add3A_457, %mul3A_455 : vector<16xf32>
      %mul3A_459 = arith.mulf %add3A_452, %add3A_458 : vector<16xf32>
      %add3A_460 = arith.constant -0.020833334 : f32
      %add3A_461 = vector.broadcast %add3A_460 : f32 to vector<16xf32>
      %add3A_462 = arith.addf %add3A_461, %mul3A_459 : vector<16xf32>
      %mul3A_463 = arith.mulf %add3A_452, %add3A_462 : vector<16xf32>
      %add3A_464 = arith.constant 5.000000e-01 : f32
      %add3A_465 = vector.broadcast %add3A_464 : f32 to vector<16xf32>
      %add3A_466 = arith.addf %add3A_465, %mul3A_463 : vector<16xf32>
      %mul3A_467 = arith.constant -2.17013894E-5 : f32
      %mul3A_468 = vector.broadcast %mul3A_467 : f32 to vector<16xf32>
      %mul3A_469 = arith.mulf %add3A_452, %mul3A_468 : vector<16xf32>
      %add3A_470 = arith.constant 0.00260416674 : f32
      %add3A_471 = vector.broadcast %add3A_470 : f32 to vector<16xf32>
      %add3A_472 = arith.addf %add3A_471, %mul3A_469 : vector<16xf32>
      %mul3A_473 = arith.mulf %add3A_452, %add3A_472 : vector<16xf32>
      %add3A_474 = arith.constant -1.250000e-01 : f32
      %add3A_475 = vector.broadcast %add3A_474 : f32 to vector<16xf32>
      %add3A_476 = arith.addf %add3A_475, %mul3A_473 : vector<16xf32>
      %mul3A_477 = arith.mulf %add3A_452, %add3A_476 : vector<16xf32>
      %add3A_478 = arith.constant 1.000000e+00 : f32
      %add3A_479 = vector.broadcast %add3A_478 : f32 to vector<16xf32>
      %add3A_480 = arith.addf %add3A_479, %mul3A_477 : vector<16xf32>
      %mul3A_481 = arith.constant -2.48015876E-5 : f32
      %mul3A_482 = vector.broadcast %mul3A_481 : f32 to vector<16xf32>
      %mul3A_483 = arith.mulf %add3A_452, %mul3A_482 : vector<16xf32>
      %add3A_484 = arith.constant 0.00138888892 : f32
      %add3A_485 = vector.broadcast %add3A_484 : f32 to vector<16xf32>
      %add3A_486 = arith.addf %add3A_485, %mul3A_483 : vector<16xf32>
      %mul3A_487 = arith.mulf %add3A_452, %add3A_486 : vector<16xf32>
      %add3A_488 = arith.constant -0.0416666679 : f32
      %add3A_489 = vector.broadcast %add3A_488 : f32 to vector<16xf32>
      %add3A_490 = arith.addf %add3A_489, %mul3A_487 : vector<16xf32>
      %mul3A_491 = arith.mulf %add3A_452, %add3A_490 : vector<16xf32>
      %add3A_492 = arith.constant 5.000000e-01 : f32
      %add3A_493 = vector.broadcast %add3A_492 : f32 to vector<16xf32>
      %add3A_494 = arith.addf %add3A_493, %mul3A_491 : vector<16xf32>
      %mul3A_495 = arith.constant -2.75573188E-6 : f32
      %mul3A_496 = vector.broadcast %mul3A_495 : f32 to vector<16xf32>
      %mul3A_497 = arith.mulf %add3A_452, %mul3A_496 : vector<16xf32>
      %add3A_498 = arith.constant 1.98412701E-4 : f32
      %add3A_499 = vector.broadcast %add3A_498 : f32 to vector<16xf32>
      %add3A_500 = arith.addf %add3A_499, %mul3A_497 : vector<16xf32>
      %mul3A_501 = arith.mulf %add3A_452, %add3A_500 : vector<16xf32>
      %add3A_502 = arith.constant -0.00833333377 : f32
      %add3A_503 = vector.broadcast %add3A_502 : f32 to vector<16xf32>
      %add3A_504 = arith.addf %add3A_503, %mul3A_501 : vector<16xf32>
      %mul3A_505 = arith.mulf %add3A_452, %add3A_504 : vector<16xf32>
      %add3A_506 = arith.constant 0.166666672 : f32
      %add3A_507 = vector.broadcast %add3A_506 : f32 to vector<16xf32>
      %add3A_508 = arith.addf %add3A_507, %mul3A_505 : vector<16xf32>
      %mul3A_509 = arith.mulf %get3A_444, %get3A_438 : vector<16xf32>
      %mul3A_510 = arith.mulf %get3A_447, %get3A_435 : vector<16xf32>
      %sub3A = arith.subf %mul3A_509, %mul3A_510 : vector<16xf32>
      %mul3A_511 = arith.mulf %get3A_447, %get3A_432 : vector<16xf32>
      %mul3A_512 = arith.mulf %get3A_441, %get3A_438 : vector<16xf32>
      %sub3A_513 = arith.subf %mul3A_511, %mul3A_512 : vector<16xf32>
      %mul3A_514 = arith.mulf %get3A_441, %get3A_435 : vector<16xf32>
      %mul3A_515 = arith.mulf %get3A_444, %get3A_432 : vector<16xf32>
      %sub3A_516 = arith.subf %mul3A_514, %mul3A_515 : vector<16xf32>
      %mul3A_517 = arith.mulf %get3A_444, %sub3A_516 : vector<16xf32>
      %mul3A_518 = arith.mulf %get3A_447, %sub3A_513 : vector<16xf32>
      %sub3A_519 = arith.subf %mul3A_517, %mul3A_518 : vector<16xf32>
      %mul3A_520 = arith.mulf %get3A_447, %sub3A : vector<16xf32>
      %mul3A_521 = arith.mulf %get3A_441, %sub3A_516 : vector<16xf32>
      %sub3A_522 = arith.subf %mul3A_520, %mul3A_521 : vector<16xf32>
      %mul3A_523 = arith.mulf %get3A_441, %sub3A_513 : vector<16xf32>
      %mul3A_524 = arith.mulf %get3A_444, %sub3A : vector<16xf32>
      %sub3A_525 = arith.subf %mul3A_523, %mul3A_524 : vector<16xf32>
      %mul3A_526 = arith.mulf %add3A_494, %sub3A : vector<16xf32>
      %add3A_527 = arith.addf %get3A_432, %mul3A_526 : vector<16xf32>
      %mul3A_528 = arith.mulf %add3A_508, %sub3A_519 : vector<16xf32>
      %add3A_529 = arith.addf %add3A_527, %mul3A_528 : vector<16xf32>
      %swap3A = arith.index_cast %mul3A_430 : i32 to index
      %swap3A_530 = tpu.vector_load %arg12[%swap3A] {strides = array<i32>} : memref<512xf32, #tpu.memory_space<vmem>>, vector<16xf32>,
      %swap3A_531 = vector.shape_cast %swap3A_530 : vector<16xf32> to vector<16xf32>
      %swap3A_532 = vector.shape_cast %add3A_529 : vector<16xf32> to vector<16xf32>
      tpu.vector_store %arg12[%swap3A], %swap3A_532 {strides = array<i32>} : memref<512xf32, #tpu.memory_space<vmem>>, vector<16xf32>,
      %mul3A_533 = arith.mulf %add3A_494, %sub3A_513 : vector<16xf32>
      %add3A_534 = arith.addf %get3A_435, %mul3A_533 : vector<16xf32>
      %mul3A_535 = arith.mulf %add3A_508, %sub3A_522 : vector<16xf32>
      %add3A_536 = arith.addf %add3A_534, %mul3A_535 : vector<16xf32>
      %swap3A_537 = arith.index_cast %mul3A_430 : i32 to index
      %swap3A_538 = tpu.vector_load %arg13[%swap3A_537] {strides = array<i32>} : memref<512xf32, #tpu.memory_space<vmem>>, vector<16xf32>,
      %swap3A_539 = vector.shape_cast %swap3A_538 : vector<16xf32> to vector<16xf32>
      %swap3A_540 = vector.shape_cast %add3A_536 : vector<16xf32> to vector<16xf32>
      tpu.vector_store %arg13[%swap3A_537], %swap3A_540 {strides = array<i32>} : memref<512xf32, #tpu.memory_space<vmem>>, vector<16xf32>,
      %mul3A_541 = arith.mulf %add3A_494, %sub3A_516 : vector<16xf32>
      %add3A_542 = arith.addf %get3A_438, %mul3A_541 : vector<16xf32>
      %mul3A_543 = arith.mulf %add3A_508, %sub3A_525 : vector<16xf32>
      %add3A_544 = arith.addf %add3A_542, %mul3A_543 : vector<16xf32>
      %swap3A_545 = arith.index_cast %mul3A_430 : i32 to index
      %swap3A_546 = tpu.vector_load %arg14[%swap3A_545] {strides = array<i32>} : memref<512xf32, #tpu.memory_space<vmem>>, vector<16xf32>,
      %swap3A_547 = vector.shape_cast %swap3A_546 : vector<16xf32> to vector<16xf32>
      %swap3A_548 = vector.shape_cast %add3A_544 : vector<16xf32> to vector<16xf32>
      tpu.vector_store %arg14[%swap3A_545], %swap3A_548 {strides = array<i32>} : memref<512xf32, #tpu.memory_space<vmem>>, vector<16xf32>,
      %mul3A_549 = arith.mulf %get3A_441, %add3A_466 : vector<16xf32>
      %swap3A_550 = arith.index_cast %mul3A_430 : i32 to index
      %swap3A_551 = tpu.vector_load %arg15[%swap3A_550] {strides = array<i32>} : memref<512xf32, #tpu.memory_space<vmem>>, vector<16xf32>,
      %swap3A_552 = vector.shape_cast %swap3A_551 : vector<16xf32> to vector<16xf32>
      %swap3A_553 = vector.shape_cast %mul3A_549 : vector<16xf32> to vector<16xf32>
      tpu.vector_store %arg15[%swap3A_550], %swap3A_553 {strides = array<i32>} : memref<512xf32, #tpu.memory_space<vmem>>, vector<16xf32>,
      %mul3A_554 = arith.mulf %get3A_444, %add3A_466 : vector<16xf32>
      %swap3A_555 = arith.index_cast %mul3A_430 : i32 to index
      %swap3A_556 = tpu.vector_load %arg16[%swap3A_555] {strides = array<i32>} : memref<512xf32, #tpu.memory_space<vmem>>, vector<16xf32>,
      %swap3A_557 = vector.shape_cast %swap3A_556 : vector<16xf32> to vector<16xf32>
      %swap3A_558 = vector.shape_cast %mul3A_554 : vector<16xf32> to vector<16xf32>
      tpu.vector_store %arg16[%swap3A_555], %swap3A_558 {strides = array<i32>} : memref<512xf32, #tpu.memory_space<vmem>>, vector<16xf32>,
      %mul3A_559 = arith.mulf %get3A_447, %add3A_466 : vector<16xf32>
      %swap3A_560 = arith.index_cast %mul3A_430 : i32 to index
      %swap3A_561 = tpu.vector_load %arg17[%swap3A_560] {strides = array<i32>} : memref<512xf32, #tpu.memory_space<vmem>>, vector<16xf32>,
      %swap3A_562 = vector.shape_cast %swap3A_561 : vector<16xf32> to vector<16xf32>
      %swap3A_563 = vector.shape_cast %mul3A_559 : vector<16xf32> to vector<16xf32>
      tpu.vector_store %arg17[%swap3A_560], %swap3A_563 {strides = array<i32>} : memref<512xf32, #tpu.memory_space<vmem>>, vector<16xf32>,
      %swap3A_564 = arith.index_cast %mul3A_430 : i32 to index
      %swap3A_565 = tpu.vector_load %arg18[%swap3A_564] {strides = array<i32>} : memref<512xf32, #tpu.memory_space<vmem>>, vector<16xf32>,
      %swap3A_566 = vector.shape_cast %swap3A_565 : vector<16xf32> to vector<16xf32>
      %swap3A_567 = vector.shape_cast %add3A_480 : vector<16xf32> to vector<16xf32>
      tpu.vector_store %arg18[%swap3A_564], %swap3A_567 {strides = array<i32>} : memref<512xf32, #tpu.memory_space<vmem>>, vector<16xf32>,
    }
    %scan3A_149 = arith.constant 16 : i32
    %add3A_150 = arith.constant 0 : i32
    %add3A_151 = arith.addi %add3A_150, %mul3A_2 : i32
    %add3A_152 = arith.constant 0 : i32
    %add3A_153 = arith.addi %add3A_151, %add3A_152 : i32
    %dma_start3A_154 = arith.constant 0 : i32
    %dma_start3A_155 = tpu.memref_slice %arg12[%dma_start3A_154] : memref<512xf32, #tpu.memory_space<vmem>> -> memref<256xf32, #tpu.memory_space<vmem>>
    %dma_start3A_156 = tpu.memref_slice %arg4[%add3A_153] : memref<114688xf32, #tpu.memory_space<hbm>> -> memref<256xf32, #tpu.memory_space<hbm>>
    %dma_start3A_157 = tpu.memref_slice %arg4[%add3A_153] : memref<114688xf32, #tpu.memory_space<hbm>> -> memref<256xf32, #tpu.memory_space<hbm>>
    %dma_start3A_158 = arith.constant 0 : i32
    %dma_start3A_159 = tpu.memref_slice %arg12[%dma_start3A_158] : memref<512xf32, #tpu.memory_space<vmem>> -> memref<256xf32, #tpu.memory_space<vmem>>
    tpu.enqueue_dma source(%dma_start3A_159 : memref<256xf32, #tpu.memory_space<vmem>>) target(%dma_start3A_157 : memref<256xf32, #tpu.memory_space<hbm>>) target_semaphore(%arg19 : memref<!tpu.dma_semaphore, #tpu.memory_space<semaphore_mem>>)
    %add3A_160 = arith.constant 16384 : i32
    %add3A_161 = arith.addi %add3A_160, %mul3A_2 : i32
    %add3A_162 = arith.constant 0 : i32
    %add3A_163 = arith.addi %add3A_161, %add3A_162 : i32
    %dma_start3A_164 = arith.constant 0 : i32
    %dma_start3A_165 = tpu.memref_slice %arg13[%dma_start3A_164] : memref<512xf32, #tpu.memory_space<vmem>> -> memref<256xf32, #tpu.memory_space<vmem>>
    %dma_start3A_166 = tpu.memref_slice %arg4[%add3A_163] : memref<114688xf32, #tpu.memory_space<hbm>> -> memref<256xf32, #tpu.memory_space<hbm>>
    %dma_start3A_167 = tpu.memref_slice %arg4[%add3A_163] : memref<114688xf32, #tpu.memory_space<hbm>> -> memref<256xf32, #tpu.memory_space<hbm>>
    %dma_start3A_168 = arith.constant 0 : i32
    %dma_start3A_169 = tpu.memref_slice %arg13[%dma_start3A_168] : memref<512xf32, #tpu.memory_space<vmem>> -> memref<256xf32, #tpu.memory_space<vmem>>
    tpu.enqueue_dma source(%dma_start3A_169 : memref<256xf32, #tpu.memory_space<vmem>>) target(%dma_start3A_167 : memref<256xf32, #tpu.memory_space<hbm>>) target_semaphore(%arg19 : memref<!tpu.dma_semaphore, #tpu.memory_space<semaphore_mem>>)
    %add3A_170 = arith.constant 32768 : i32
    %add3A_171 = arith.addi %add3A_170, %mul3A_2 : i32
    %add3A_172 = arith.constant 0 : i32
    %add3A_173 = arith.addi %add3A_171, %add3A_172 : i32
    %dma_start3A_174 = arith.constant 0 : i32
    %dma_start3A_175 = tpu.memref_slice %arg14[%dma_start3A_174] : memref<512xf32, #tpu.memory_space<vmem>> -> memref<256xf32, #tpu.memory_space<vmem>>
    %dma_start3A_176 = tpu.memref_slice %arg4[%add3A_173] : memref<114688xf32, #tpu.memory_space<hbm>> -> memref<256xf32, #tpu.memory_space<hbm>>
    %dma_start3A_177 = tpu.memref_slice %arg4[%add3A_173] : memref<114688xf32, #tpu.memory_space<hbm>> -> memref<256xf32, #tpu.memory_space<hbm>>
    %dma_start3A_178 = arith.constant 0 : i32
    %dma_start3A_179 = tpu.memref_slice %arg14[%dma_start3A_178] : memref<512xf32, #tpu.memory_space<vmem>> -> memref<256xf32, #tpu.memory_space<vmem>>
    tpu.enqueue_dma source(%dma_start3A_179 : memref<256xf32, #tpu.memory_space<vmem>>) target(%dma_start3A_177 : memref<256xf32, #tpu.memory_space<hbm>>) target_semaphore(%arg19 : memref<!tpu.dma_semaphore, #tpu.memory_space<semaphore_mem>>)
    %add3A_180 = arith.constant 49152 : i32
    %add3A_181 = arith.addi %add3A_180, %mul3A_2 : i32
    %add3A_182 = arith.constant 0 : i32
    %add3A_183 = arith.addi %add3A_181, %add3A_182 : i32
    %dma_start3A_184 = arith.constant 0 : i32
    %dma_start3A_185 = tpu.memref_slice %arg15[%dma_start3A_184] : memref<512xf32, #tpu.memory_space<vmem>> -> memref<256xf32, #tpu.memory_space<vmem>>
    %dma_start3A_186 = tpu.memref_slice %arg4[%add3A_183] : memref<114688xf32, #tpu.memory_space<hbm>> -> memref<256xf32, #tpu.memory_space<hbm>>
    %dma_start3A_187 = tpu.memref_slice %arg4[%add3A_183] : memref<114688xf32, #tpu.memory_space<hbm>> -> memref<256xf32, #tpu.memory_space<hbm>>
    %dma_start3A_188 = arith.constant 0 : i32
    %dma_start3A_189 = tpu.memref_slice %arg15[%dma_start3A_188] : memref<512xf32, #tpu.memory_space<vmem>> -> memref<256xf32, #tpu.memory_space<vmem>>
    tpu.enqueue_dma source(%dma_start3A_189 : memref<256xf32, #tpu.memory_space<vmem>>) target(%dma_start3A_187 : memref<256xf32, #tpu.memory_space<hbm>>) target_semaphore(%arg19 : memref<!tpu.dma_semaphore, #tpu.memory_space<semaphore_mem>>)
    %add3A_190 = arith.constant 65536 : i32
    %add3A_191 = arith.addi %add3A_190, %mul3A_2 : i32
    %add3A_192 = arith.constant 0 : i32
    %add3A_193 = arith.addi %add3A_191, %add3A_192 : i32
    %dma_start3A_194 = arith.constant 0 : i32
    %dma_start3A_195 = tpu.memref_slice %arg16[%dma_start3A_194] : memref<512xf32, #tpu.memory_space<vmem>> -> memref<256xf32, #tpu.memory_space<vmem>>
    %dma_start3A_196 = tpu.memref_slice %arg4[%add3A_193] : memref<114688xf32, #tpu.memory_space<hbm>> -> memref<256xf32, #tpu.memory_space<hbm>>
    %dma_start3A_197 = tpu.memref_slice %arg4[%add3A_193] : memref<114688xf32, #tpu.memory_space<hbm>> -> memref<256xf32, #tpu.memory_space<hbm>>
    %dma_start3A_198 = arith.constant 0 : i32
    %dma_start3A_199 = tpu.memref_slice %arg16[%dma_start3A_198] : memref<512xf32, #tpu.memory_space<vmem>> -> memref<256xf32, #tpu.memory_space<vmem>>
    tpu.enqueue_dma source(%dma_start3A_199 : memref<256xf32, #tpu.memory_space<vmem>>) target(%dma_start3A_197 : memref<256xf32, #tpu.memory_space<hbm>>) target_semaphore(%arg19 : memref<!tpu.dma_semaphore, #tpu.memory_space<semaphore_mem>>)
    %add3A_200 = arith.constant 81920 : i32
    %add3A_201 = arith.addi %add3A_200, %mul3A_2 : i32
    %add3A_202 = arith.constant 0 : i32
    %add3A_203 = arith.addi %add3A_201, %add3A_202 : i32
    %dma_start3A_204 = arith.constant 0 : i32
    %dma_start3A_205 = tpu.memref_slice %arg17[%dma_start3A_204] : memref<512xf32, #tpu.memory_space<vmem>> -> memref<256xf32, #tpu.memory_space<vmem>>
    %dma_start3A_206 = tpu.memref_slice %arg4[%add3A_203] : memref<114688xf32, #tpu.memory_space<hbm>> -> memref<256xf32, #tpu.memory_space<hbm>>
    %dma_start3A_207 = tpu.memref_slice %arg4[%add3A_203] : memref<114688xf32, #tpu.memory_space<hbm>> -> memref<256xf32, #tpu.memory_space<hbm>>
    %dma_start3A_208 = arith.constant 0 : i32
    %dma_start3A_209 = tpu.memref_slice %arg17[%dma_start3A_208] : memref<512xf32, #tpu.memory_space<vmem>> -> memref<256xf32, #tpu.memory_space<vmem>>
    tpu.enqueue_dma source(%dma_start3A_209 : memref<256xf32, #tpu.memory_space<vmem>>) target(%dma_start3A_207 : memref<256xf32, #tpu.memory_space<hbm>>) target_semaphore(%arg19 : memref<!tpu.dma_semaphore, #tpu.memory_space<semaphore_mem>>)
    %add3A_210 = arith.constant 98304 : i32
    %add3A_211 = arith.addi %add3A_210, %mul3A_2 : i32
    %add3A_212 = arith.constant 0 : i32
    %add3A_213 = arith.addi %add3A_211, %add3A_212 : i32
    %dma_start3A_214 = arith.constant 0 : i32
    %dma_start3A_215 = tpu.memref_slice %arg18[%dma_start3A_214] : memref<512xf32, #tpu.memory_space<vmem>> -> memref<256xf32, #tpu.memory_space<vmem>>
    %dma_start3A_216 = tpu.memref_slice %arg4[%add3A_213] : memref<114688xf32, #tpu.memory_space<hbm>> -> memref<256xf32, #tpu.memory_space<hbm>>
    %dma_start3A_217 = tpu.memref_slice %arg4[%add3A_213] : memref<114688xf32, #tpu.memory_space<hbm>> -> memref<256xf32, #tpu.memory_space<hbm>>
    %dma_start3A_218 = arith.constant 0 : i32
    %dma_start3A_219 = tpu.memref_slice %arg18[%dma_start3A_218] : memref<512xf32, #tpu.memory_space<vmem>> -> memref<256xf32, #tpu.memory_space<vmem>>
    tpu.enqueue_dma source(%dma_start3A_219 : memref<256xf32, #tpu.memory_space<vmem>>) target(%dma_start3A_217 : memref<256xf32, #tpu.memory_space<hbm>>) target_semaphore(%arg19 : memref<!tpu.dma_semaphore, #tpu.memory_space<semaphore_mem>>)
    %dma_wait3A_220 = arith.constant 256 : i32
    %dma_wait3A_221 = tpu.memref_slice %arg6[%dma_wait3A_220] : memref<512xf32, #tpu.memory_space<vmem>> -> memref<256xf32, #tpu.memory_space<vmem>>
    %dma_wait3A_222 = arith.constant 256 : i32
    %dma_wait3A_223 = tpu.memref_slice %arg5[%dma_wait3A_222] : memref<512xi32, #tpu.memory_space<vmem>> -> memref<256xi32, #tpu.memory_space<vmem>>
    %dma_wait3A_224 = arith.constant 0 : i32
    %dma_wait3A_225 = tpu.memref_slice %arg3[%dma_wait3A_224] : memref<800768xf32, #tpu.memory_space<hbm>> -> memref<100096xf32, #tpu.memory_space<hbm>>
    %dma_wait3A_226 = arith.constant 0 : i32
    %dma_wait3A_227 = tpu.memref_slice %dma_wait3A_225[%dma_wait3A_226] : memref<100096xf32, #tpu.memory_space<hbm>> -> memref<100096xf32, #tpu.memory_space<hbm>>
    tpu.wait_indirect_dma semaphore(%arg19 : memref<!tpu.dma_semaphore, #tpu.memory_space<semaphore_mem>>) src(%dma_wait3A_227 : memref<100096xf32, #tpu.memory_space<hbm>>) dst(%dma_wait3A_221 : memref<256xf32, #tpu.memory_space<vmem>>)
    %dma_wait3A_228 = arith.constant 256 : i32
    %dma_wait3A_229 = tpu.memref_slice %arg7[%dma_wait3A_228] : memref<512xf32, #tpu.memory_space<vmem>> -> memref<256xf32, #tpu.memory_space<vmem>>
    %dma_wait3A_230 = arith.constant 256 : i32
    %dma_wait3A_231 = tpu.memref_slice %arg5[%dma_wait3A_230] : memref<512xi32, #tpu.memory_space<vmem>> -> memref<256xi32, #tpu.memory_space<vmem>>
    %dma_wait3A_232 = arith.constant 100096 : i32
    %dma_wait3A_233 = tpu.memref_slice %arg3[%dma_wait3A_232] : memref<800768xf32, #tpu.memory_space<hbm>> -> memref<100096xf32, #tpu.memory_space<hbm>>
    %dma_wait3A_234 = arith.constant 0 : i32
    %dma_wait3A_235 = tpu.memref_slice %dma_wait3A_233[%dma_wait3A_234] : memref<100096xf32, #tpu.memory_space<hbm>> -> memref<100096xf32, #tpu.memory_space<hbm>>
    tpu.wait_indirect_dma semaphore(%arg19 : memref<!tpu.dma_semaphore, #tpu.memory_space<semaphore_mem>>) src(%dma_wait3A_235 : memref<100096xf32, #tpu.memory_space<hbm>>) dst(%dma_wait3A_229 : memref<256xf32, #tpu.memory_space<vmem>>)
    %dma_wait3A_236 = arith.constant 256 : i32
    %dma_wait3A_237 = tpu.memref_slice %arg8[%dma_wait3A_236] : memref<512xf32, #tpu.memory_space<vmem>> -> memref<256xf32, #tpu.memory_space<vmem>>
    %dma_wait3A_238 = arith.constant 256 : i32
    %dma_wait3A_239 = tpu.memref_slice %arg5[%dma_wait3A_238] : memref<512xi32, #tpu.memory_space<vmem>> -> memref<256xi32, #tpu.memory_space<vmem>>
    %dma_wait3A_240 = arith.constant 200192 : i32
    %dma_wait3A_241 = tpu.memref_slice %arg3[%dma_wait3A_240] : memref<800768xf32, #tpu.memory_space<hbm>> -> memref<100096xf32, #tpu.memory_space<hbm>>
    %dma_wait3A_242 = arith.constant 0 : i32
    %dma_wait3A_243 = tpu.memref_slice %dma_wait3A_241[%dma_wait3A_242] : memref<100096xf32, #tpu.memory_space<hbm>> -> memref<100096xf32, #tpu.memory_space<hbm>>
    tpu.wait_indirect_dma semaphore(%arg19 : memref<!tpu.dma_semaphore, #tpu.memory_space<semaphore_mem>>) src(%dma_wait3A_243 : memref<100096xf32, #tpu.memory_space<hbm>>) dst(%dma_wait3A_237 : memref<256xf32, #tpu.memory_space<vmem>>)
    %dma_wait3A_244 = arith.constant 256 : i32
    %dma_wait3A_245 = tpu.memref_slice %arg9[%dma_wait3A_244] : memref<512xf32, #tpu.memory_space<vmem>> -> memref<256xf32, #tpu.memory_space<vmem>>
    %dma_wait3A_246 = arith.constant 256 : i32
    %dma_wait3A_247 = tpu.memref_slice %arg5[%dma_wait3A_246] : memref<512xi32, #tpu.memory_space<vmem>> -> memref<256xi32, #tpu.memory_space<vmem>>
    %dma_wait3A_248 = arith.constant 300288 : i32
    %dma_wait3A_249 = tpu.memref_slice %arg3[%dma_wait3A_248] : memref<800768xf32, #tpu.memory_space<hbm>> -> memref<100096xf32, #tpu.memory_space<hbm>>
    %dma_wait3A_250 = arith.constant 0 : i32
    %dma_wait3A_251 = tpu.memref_slice %dma_wait3A_249[%dma_wait3A_250] : memref<100096xf32, #tpu.memory_space<hbm>> -> memref<100096xf32, #tpu.memory_space<hbm>>
    tpu.wait_indirect_dma semaphore(%arg19 : memref<!tpu.dma_semaphore, #tpu.memory_space<semaphore_mem>>) src(%dma_wait3A_251 : memref<100096xf32, #tpu.memory_space<hbm>>) dst(%dma_wait3A_245 : memref<256xf32, #tpu.memory_space<vmem>>)
    %dma_wait3A_252 = arith.constant 256 : i32
    %dma_wait3A_253 = tpu.memref_slice %arg10[%dma_wait3A_252] : memref<512xf32, #tpu.memory_space<vmem>> -> memref<256xf32, #tpu.memory_space<vmem>>
    %dma_wait3A_254 = arith.constant 256 : i32
    %dma_wait3A_255 = tpu.memref_slice %arg5[%dma_wait3A_254] : memref<512xi32, #tpu.memory_space<vmem>> -> memref<256xi32, #tpu.memory_space<vmem>>
    %dma_wait3A_256 = arith.constant 400384 : i32
    %dma_wait3A_257 = tpu.memref_slice %arg3[%dma_wait3A_256] : memref<800768xf32, #tpu.memory_space<hbm>> -> memref<100096xf32, #tpu.memory_space<hbm>>
    %dma_wait3A_258 = arith.constant 0 : i32
    %dma_wait3A_259 = tpu.memref_slice %dma_wait3A_257[%dma_wait3A_258] : memref<100096xf32, #tpu.memory_space<hbm>> -> memref<100096xf32, #tpu.memory_space<hbm>>
    tpu.wait_indirect_dma semaphore(%arg19 : memref<!tpu.dma_semaphore, #tpu.memory_space<semaphore_mem>>) src(%dma_wait3A_259 : memref<100096xf32, #tpu.memory_space<hbm>>) dst(%dma_wait3A_253 : memref<256xf32, #tpu.memory_space<vmem>>)
    %dma_wait3A_260 = arith.constant 256 : i32
    %dma_wait3A_261 = tpu.memref_slice %arg11[%dma_wait3A_260] : memref<512xf32, #tpu.memory_space<vmem>> -> memref<256xf32, #tpu.memory_space<vmem>>
    %dma_wait3A_262 = arith.constant 256 : i32
    %dma_wait3A_263 = tpu.memref_slice %arg5[%dma_wait3A_262] : memref<512xi32, #tpu.memory_space<vmem>> -> memref<256xi32, #tpu.memory_space<vmem>>
    %dma_wait3A_264 = arith.constant 500480 : i32
    %dma_wait3A_265 = tpu.memref_slice %arg3[%dma_wait3A_264] : memref<800768xf32, #tpu.memory_space<hbm>> -> memref<100096xf32, #tpu.memory_space<hbm>>
    %dma_wait3A_266 = arith.constant 0 : i32
    %dma_wait3A_267 = tpu.memref_slice %dma_wait3A_265[%dma_wait3A_266] : memref<100096xf32, #tpu.memory_space<hbm>> -> memref<100096xf32, #tpu.memory_space<hbm>>
    tpu.wait_indirect_dma semaphore(%arg19 : memref<!tpu.dma_semaphore, #tpu.memory_space<semaphore_mem>>) src(%dma_wait3A_267 : memref<100096xf32, #tpu.memory_space<hbm>>) dst(%dma_wait3A_261 : memref<256xf32, #tpu.memory_space<vmem>>)
    %scan3A_268 = arith.constant 0 : i32
    %scan3A_269 = arith.constant 16 : i32
    %scan3A_270 = arith.constant 16 : i32
    %scan3A_271 = arith.addi %scan3A_269, %scan3A_270 : i32
    %scan3A_272 = arith.constant 1 : i32
    scf.for %scan3A_428 = %scan3A_269 to %scan3A_271 step %scan3A_272  : i32 {
      %mul3A_429 = arith.constant 16 : i32
      %mul3A_430 = arith.muli %scan3A_428, %mul3A_429 : i32
      %get3A = arith.index_cast %mul3A_430 : i32 to index
      %get3A_431 = tpu.vector_load %arg6[%get3A] {strides = array<i32>} : memref<512xf32, #tpu.memory_space<vmem>>, vector<16xf32>,
      %get3A_432 = vector.shape_cast %get3A_431 : vector<16xf32> to vector<16xf32>
      %get3A_433 = arith.index_cast %mul3A_430 : i32 to index
      %get3A_434 = tpu.vector_load %arg7[%get3A_433] {strides = array<i32>} : memref<512xf32, #tpu.memory_space<vmem>>, vector<16xf32>,
      %get3A_435 = vector.shape_cast %get3A_434 : vector<16xf32> to vector<16xf32>
      %get3A_436 = arith.index_cast %mul3A_430 : i32 to index
      %get3A_437 = tpu.vector_load %arg8[%get3A_436] {strides = array<i32>} : memref<512xf32, #tpu.memory_space<vmem>>, vector<16xf32>,
      %get3A_438 = vector.shape_cast %get3A_437 : vector<16xf32> to vector<16xf32>
      %get3A_439 = arith.index_cast %mul3A_430 : i32 to index
      %get3A_440 = tpu.vector_load %arg9[%get3A_439] {strides = array<i32>} : memref<512xf32, #tpu.memory_space<vmem>>, vector<16xf32>,
      %get3A_441 = vector.shape_cast %get3A_440 : vector<16xf32> to vector<16xf32>
      %get3A_442 = arith.index_cast %mul3A_430 : i32 to index
      %get3A_443 = tpu.vector_load %arg10[%get3A_442] {strides = array<i32>} : memref<512xf32, #tpu.memory_space<vmem>>, vector<16xf32>,
      %get3A_444 = vector.shape_cast %get3A_443 : vector<16xf32> to vector<16xf32>
      %get3A_445 = arith.index_cast %mul3A_430 : i32 to index
      %get3A_446 = tpu.vector_load %arg11[%get3A_445] {strides = array<i32>} : memref<512xf32, #tpu.memory_space<vmem>>, vector<16xf32>,
      %get3A_447 = vector.shape_cast %get3A_446 : vector<16xf32> to vector<16xf32>
      %mul3A_448 = arith.mulf %get3A_441, %get3A_441 : vector<16xf32>
      %mul3A_449 = arith.mulf %get3A_444, %get3A_444 : vector<16xf32>
      %add3A_450 = arith.addf %mul3A_448, %mul3A_449 : vector<16xf32>
      %mul3A_451 = arith.mulf %get3A_447, %get3A_447 : vector<16xf32>
      %add3A_452 = arith.addf %add3A_450, %mul3A_451 : vector<16xf32>
      %mul3A_453 = arith.constant -1.55009923E-6 : f32
      %mul3A_454 = vector.broadcast %mul3A_453 : f32 to vector<16xf32>
      %mul3A_455 = arith.mulf %add3A_452, %mul3A_454 : vector<16xf32>
      %add3A_456 = arith.constant 2.6041668E-4 : f32
      %add3A_457 = vector.broadcast %add3A_456 : f32 to vector<16xf32>
      %add3A_458 = arith.addf %add3A_457, %mul3A_455 : vector<16xf32>
      %mul3A_459 = arith.mulf %add3A_452, %add3A_458 : vector<16xf32>
      %add3A_460 = arith.constant -0.020833334 : f32
      %add3A_461 = vector.broadcast %add3A_460 : f32 to vector<16xf32>
      %add3A_462 = arith.addf %add3A_461, %mul3A_459 : vector<16xf32>
      %mul3A_463 = arith.mulf %add3A_452, %add3A_462 : vector<16xf32>
      %add3A_464 = arith.constant 5.000000e-01 : f32
      %add3A_465 = vector.broadcast %add3A_464 : f32 to vector<16xf32>
      %add3A_466 = arith.addf %add3A_465, %mul3A_463 : vector<16xf32>
      %mul3A_467 = arith.constant -2.17013894E-5 : f32
      %mul3A_468 = vector.broadcast %mul3A_467 : f32 to vector<16xf32>
      %mul3A_469 = arith.mulf %add3A_452, %mul3A_468 : vector<16xf32>
      %add3A_470 = arith.constant 0.00260416674 : f32
      %add3A_471 = vector.broadcast %add3A_470 : f32 to vector<16xf32>
      %add3A_472 = arith.addf %add3A_471, %mul3A_469 : vector<16xf32>
      %mul3A_473 = arith.mulf %add3A_452, %add3A_472 : vector<16xf32>
      %add3A_474 = arith.constant -1.250000e-01 : f32
      %add3A_475 = vector.broadcast %add3A_474 : f32 to vector<16xf32>
      %add3A_476 = arith.addf %add3A_475, %mul3A_473 : vector<16xf32>
      %mul3A_477 = arith.mulf %add3A_452, %add3A_476 : vector<16xf32>
      %add3A_478 = arith.constant 1.000000e+00 : f32
      %add3A_479 = vector.broadcast %add3A_478 : f32 to vector<16xf32>
      %add3A_480 = arith.addf %add3A_479, %mul3A_477 : vector<16xf32>
      %mul3A_481 = arith.constant -2.48015876E-5 : f32
      %mul3A_482 = vector.broadcast %mul3A_481 : f32 to vector<16xf32>
      %mul3A_483 = arith.mulf %add3A_452, %mul3A_482 : vector<16xf32>
      %add3A_484 = arith.constant 0.00138888892 : f32
      %add3A_485 = vector.broadcast %add3A_484 : f32 to vector<16xf32>
      %add3A_486 = arith.addf %add3A_485, %mul3A_483 : vector<16xf32>
      %mul3A_487 = arith.mulf %add3A_452, %add3A_486 : vector<16xf32>
      %add3A_488 = arith.constant -0.0416666679 : f32
      %add3A_489 = vector.broadcast %add3A_488 : f32 to vector<16xf32>
      %add3A_490 = arith.addf %add3A_489, %mul3A_487 : vector<16xf32>
      %mul3A_491 = arith.mulf %add3A_452, %add3A_490 : vector<16xf32>
      %add3A_492 = arith.constant 5.000000e-01 : f32
      %add3A_493 = vector.broadcast %add3A_492 : f32 to vector<16xf32>
      %add3A_494 = arith.addf %add3A_493, %mul3A_491 : vector<16xf32>
      %mul3A_495 = arith.constant -2.75573188E-6 : f32
      %mul3A_496 = vector.broadcast %mul3A_495 : f32 to vector<16xf32>
      %mul3A_497 = arith.mulf %add3A_452, %mul3A_496 : vector<16xf32>
      %add3A_498 = arith.constant 1.98412701E-4 : f32
      %add3A_499 = vector.broadcast %add3A_498 : f32 to vector<16xf32>
      %add3A_500 = arith.addf %add3A_499, %mul3A_497 : vector<16xf32>
      %mul3A_501 = arith.mulf %add3A_452, %add3A_500 : vector<16xf32>
      %add3A_502 = arith.constant -0.00833333377 : f32
      %add3A_503 = vector.broadcast %add3A_502 : f32 to vector<16xf32>
      %add3A_504 = arith.addf %add3A_503, %mul3A_501 : vector<16xf32>
      %mul3A_505 = arith.mulf %add3A_452, %add3A_504 : vector<16xf32>
      %add3A_506 = arith.constant 0.166666672 : f32
      %add3A_507 = vector.broadcast %add3A_506 : f32 to vector<16xf32>
      %add3A_508 = arith.addf %add3A_507, %mul3A_505 : vector<16xf32>
      %mul3A_509 = arith.mulf %get3A_444, %get3A_438 : vector<16xf32>
      %mul3A_510 = arith.mulf %get3A_447, %get3A_435 : vector<16xf32>
      %sub3A = arith.subf %mul3A_509, %mul3A_510 : vector<16xf32>
      %mul3A_511 = arith.mulf %get3A_447, %get3A_432 : vector<16xf32>
      %mul3A_512 = arith.mulf %get3A_441, %get3A_438 : vector<16xf32>
      %sub3A_513 = arith.subf %mul3A_511, %mul3A_512 : vector<16xf32>
      %mul3A_514 = arith.mulf %get3A_441, %get3A_435 : vector<16xf32>
      %mul3A_515 = arith.mulf %get3A_444, %get3A_432 : vector<16xf32>
      %sub3A_516 = arith.subf %mul3A_514, %mul3A_515 : vector<16xf32>
      %mul3A_517 = arith.mulf %get3A_444, %sub3A_516 : vector<16xf32>
      %mul3A_518 = arith.mulf %get3A_447, %sub3A_513 : vector<16xf32>
      %sub3A_519 = arith.subf %mul3A_517, %mul3A_518 : vector<16xf32>
      %mul3A_520 = arith.mulf %get3A_447, %sub3A : vector<16xf32>
      %mul3A_521 = arith.mulf %get3A_441, %sub3A_516 : vector<16xf32>
      %sub3A_522 = arith.subf %mul3A_520, %mul3A_521 : vector<16xf32>
      %mul3A_523 = arith.mulf %get3A_441, %sub3A_513 : vector<16xf32>
      %mul3A_524 = arith.mulf %get3A_444, %sub3A : vector<16xf32>
      %sub3A_525 = arith.subf %mul3A_523, %mul3A_524 : vector<16xf32>
      %mul3A_526 = arith.mulf %add3A_494, %sub3A : vector<16xf32>
      %add3A_527 = arith.addf %get3A_432, %mul3A_526 : vector<16xf32>
      %mul3A_528 = arith.mulf %add3A_508, %sub3A_519 : vector<16xf32>
      %add3A_529 = arith.addf %add3A_527, %mul3A_528 : vector<16xf32>
      %swap3A = arith.index_cast %mul3A_430 : i32 to index
      %swap3A_530 = tpu.vector_load %arg12[%swap3A] {strides = array<i32>} : memref<512xf32, #tpu.memory_space<vmem>>, vector<16xf32>,
      %swap3A_531 = vector.shape_cast %swap3A_530 : vector<16xf32> to vector<16xf32>
      %swap3A_532 = vector.shape_cast %add3A_529 : vector<16xf32> to vector<16xf32>
      tpu.vector_store %arg12[%swap3A], %swap3A_532 {strides = array<i32>} : memref<512xf32, #tpu.memory_space<vmem>>, vector<16xf32>,
      %mul3A_533 = arith.mulf %add3A_494, %sub3A_513 : vector<16xf32>
      %add3A_534 = arith.addf %get3A_435, %mul3A_533 : vector<16xf32>
      %mul3A_535 = arith.mulf %add3A_508, %sub3A_522 : vector<16xf32>
      %add3A_536 = arith.addf %add3A_534, %mul3A_535 : vector<16xf32>
      %swap3A_537 = arith.index_cast %mul3A_430 : i32 to index
      %swap3A_538 = tpu.vector_load %arg13[%swap3A_537] {strides = array<i32>} : memref<512xf32, #tpu.memory_space<vmem>>, vector<16xf32>,
      %swap3A_539 = vector.shape_cast %swap3A_538 : vector<16xf32> to vector<16xf32>
      %swap3A_540 = vector.shape_cast %add3A_536 : vector<16xf32> to vector<16xf32>
      tpu.vector_store %arg13[%swap3A_537], %swap3A_540 {strides = array<i32>} : memref<512xf32, #tpu.memory_space<vmem>>, vector<16xf32>,
      %mul3A_541 = arith.mulf %add3A_494, %sub3A_516 : vector<16xf32>
      %add3A_542 = arith.addf %get3A_438, %mul3A_541 : vector<16xf32>
      %mul3A_543 = arith.mulf %add3A_508, %sub3A_525 : vector<16xf32>
      %add3A_544 = arith.addf %add3A_542, %mul3A_543 : vector<16xf32>
      %swap3A_545 = arith.index_cast %mul3A_430 : i32 to index
      %swap3A_546 = tpu.vector_load %arg14[%swap3A_545] {strides = array<i32>} : memref<512xf32, #tpu.memory_space<vmem>>, vector<16xf32>,
      %swap3A_547 = vector.shape_cast %swap3A_546 : vector<16xf32> to vector<16xf32>
      %swap3A_548 = vector.shape_cast %add3A_544 : vector<16xf32> to vector<16xf32>
      tpu.vector_store %arg14[%swap3A_545], %swap3A_548 {strides = array<i32>} : memref<512xf32, #tpu.memory_space<vmem>>, vector<16xf32>,
      %mul3A_549 = arith.mulf %get3A_441, %add3A_466 : vector<16xf32>
      %swap3A_550 = arith.index_cast %mul3A_430 : i32 to index
      %swap3A_551 = tpu.vector_load %arg15[%swap3A_550] {strides = array<i32>} : memref<512xf32, #tpu.memory_space<vmem>>, vector<16xf32>,
      %swap3A_552 = vector.shape_cast %swap3A_551 : vector<16xf32> to vector<16xf32>
      %swap3A_553 = vector.shape_cast %mul3A_549 : vector<16xf32> to vector<16xf32>
      tpu.vector_store %arg15[%swap3A_550], %swap3A_553 {strides = array<i32>} : memref<512xf32, #tpu.memory_space<vmem>>, vector<16xf32>,
      %mul3A_554 = arith.mulf %get3A_444, %add3A_466 : vector<16xf32>
      %swap3A_555 = arith.index_cast %mul3A_430 : i32 to index
      %swap3A_556 = tpu.vector_load %arg16[%swap3A_555] {strides = array<i32>} : memref<512xf32, #tpu.memory_space<vmem>>, vector<16xf32>,
      %swap3A_557 = vector.shape_cast %swap3A_556 : vector<16xf32> to vector<16xf32>
      %swap3A_558 = vector.shape_cast %mul3A_554 : vector<16xf32> to vector<16xf32>
      tpu.vector_store %arg16[%swap3A_555], %swap3A_558 {strides = array<i32>} : memref<512xf32, #tpu.memory_space<vmem>>, vector<16xf32>,
      %mul3A_559 = arith.mulf %get3A_447, %add3A_466 : vector<16xf32>
      %swap3A_560 = arith.index_cast %mul3A_430 : i32 to index
      %swap3A_561 = tpu.vector_load %arg17[%swap3A_560] {strides = array<i32>} : memref<512xf32, #tpu.memory_space<vmem>>, vector<16xf32>,
      %swap3A_562 = vector.shape_cast %swap3A_561 : vector<16xf32> to vector<16xf32>
      %swap3A_563 = vector.shape_cast %mul3A_559 : vector<16xf32> to vector<16xf32>
      tpu.vector_store %arg17[%swap3A_560], %swap3A_563 {strides = array<i32>} : memref<512xf32, #tpu.memory_space<vmem>>, vector<16xf32>,
      %swap3A_564 = arith.index_cast %mul3A_430 : i32 to index
      %swap3A_565 = tpu.vector_load %arg18[%swap3A_564] {strides = array<i32>} : memref<512xf32, #tpu.memory_space<vmem>>, vector<16xf32>,
      %swap3A_566 = vector.shape_cast %swap3A_565 : vector<16xf32> to vector<16xf32>
      %swap3A_567 = vector.shape_cast %add3A_480 : vector<16xf32> to vector<16xf32>
      tpu.vector_store %arg18[%swap3A_564], %swap3A_567 {strides = array<i32>} : memref<512xf32, #tpu.memory_space<vmem>>, vector<16xf32>,
    }
    %scan3A_273 = arith.constant 16 : i32
    %add3A_274 = arith.constant 0 : i32
    %add3A_275 = arith.addi %add3A_274, %mul3A_2 : i32
    %add3A_276 = arith.constant 256 : i32
    %add3A_277 = arith.addi %add3A_275, %add3A_276 : i32
    %dma_start3A_278 = arith.constant 256 : i32
    %dma_start3A_279 = tpu.memref_slice %arg12[%dma_start3A_278] : memref<512xf32, #tpu.memory_space<vmem>> -> memref<256xf32, #tpu.memory_space<vmem>>
    %dma_start3A_280 = tpu.memref_slice %arg4[%add3A_277] : memref<114688xf32, #tpu.memory_space<hbm>> -> memref<256xf32, #tpu.memory_space<hbm>>
    %dma_start3A_281 = tpu.memref_slice %arg4[%add3A_277] : memref<114688xf32, #tpu.memory_space<hbm>> -> memref<256xf32, #tpu.memory_space<hbm>>
    %dma_start3A_282 = arith.constant 256 : i32
    %dma_start3A_283 = tpu.memref_slice %arg12[%dma_start3A_282] : memref<512xf32, #tpu.memory_space<vmem>> -> memref<256xf32, #tpu.memory_space<vmem>>
    tpu.enqueue_dma source(%dma_start3A_283 : memref<256xf32, #tpu.memory_space<vmem>>) target(%dma_start3A_281 : memref<256xf32, #tpu.memory_space<hbm>>) target_semaphore(%arg19 : memref<!tpu.dma_semaphore, #tpu.memory_space<semaphore_mem>>)
    %add3A_284 = arith.constant 16384 : i32
    %add3A_285 = arith.addi %add3A_284, %mul3A_2 : i32
    %add3A_286 = arith.constant 256 : i32
    %add3A_287 = arith.addi %add3A_285, %add3A_286 : i32
    %dma_start3A_288 = arith.constant 256 : i32
    %dma_start3A_289 = tpu.memref_slice %arg13[%dma_start3A_288] : memref<512xf32, #tpu.memory_space<vmem>> -> memref<256xf32, #tpu.memory_space<vmem>>
    %dma_start3A_290 = tpu.memref_slice %arg4[%add3A_287] : memref<114688xf32, #tpu.memory_space<hbm>> -> memref<256xf32, #tpu.memory_space<hbm>>
    %dma_start3A_291 = tpu.memref_slice %arg4[%add3A_287] : memref<114688xf32, #tpu.memory_space<hbm>> -> memref<256xf32, #tpu.memory_space<hbm>>
    %dma_start3A_292 = arith.constant 256 : i32
    %dma_start3A_293 = tpu.memref_slice %arg13[%dma_start3A_292] : memref<512xf32, #tpu.memory_space<vmem>> -> memref<256xf32, #tpu.memory_space<vmem>>
    tpu.enqueue_dma source(%dma_start3A_293 : memref<256xf32, #tpu.memory_space<vmem>>) target(%dma_start3A_291 : memref<256xf32, #tpu.memory_space<hbm>>) target_semaphore(%arg19 : memref<!tpu.dma_semaphore, #tpu.memory_space<semaphore_mem>>)
    %add3A_294 = arith.constant 32768 : i32
    %add3A_295 = arith.addi %add3A_294, %mul3A_2 : i32
    %add3A_296 = arith.constant 256 : i32
    %add3A_297 = arith.addi %add3A_295, %add3A_296 : i32
    %dma_start3A_298 = arith.constant 256 : i32
    %dma_start3A_299 = tpu.memref_slice %arg14[%dma_start3A_298] : memref<512xf32, #tpu.memory_space<vmem>> -> memref<256xf32, #tpu.memory_space<vmem>>
    %dma_start3A_300 = tpu.memref_slice %arg4[%add3A_297] : memref<114688xf32, #tpu.memory_space<hbm>> -> memref<256xf32, #tpu.memory_space<hbm>>
    %dma_start3A_301 = tpu.memref_slice %arg4[%add3A_297] : memref<114688xf32, #tpu.memory_space<hbm>> -> memref<256xf32, #tpu.memory_space<hbm>>
    %dma_start3A_302 = arith.constant 256 : i32
    %dma_start3A_303 = tpu.memref_slice %arg14[%dma_start3A_302] : memref<512xf32, #tpu.memory_space<vmem>> -> memref<256xf32, #tpu.memory_space<vmem>>
    tpu.enqueue_dma source(%dma_start3A_303 : memref<256xf32, #tpu.memory_space<vmem>>) target(%dma_start3A_301 : memref<256xf32, #tpu.memory_space<hbm>>) target_semaphore(%arg19 : memref<!tpu.dma_semaphore, #tpu.memory_space<semaphore_mem>>)
    %add3A_304 = arith.constant 49152 : i32
    %add3A_305 = arith.addi %add3A_304, %mul3A_2 : i32
    %add3A_306 = arith.constant 256 : i32
    %add3A_307 = arith.addi %add3A_305, %add3A_306 : i32
    %dma_start3A_308 = arith.constant 256 : i32
    %dma_start3A_309 = tpu.memref_slice %arg15[%dma_start3A_308] : memref<512xf32, #tpu.memory_space<vmem>> -> memref<256xf32, #tpu.memory_space<vmem>>
    %dma_start3A_310 = tpu.memref_slice %arg4[%add3A_307] : memref<114688xf32, #tpu.memory_space<hbm>> -> memref<256xf32, #tpu.memory_space<hbm>>
    %dma_start3A_311 = tpu.memref_slice %arg4[%add3A_307] : memref<114688xf32, #tpu.memory_space<hbm>> -> memref<256xf32, #tpu.memory_space<hbm>>
    %dma_start3A_312 = arith.constant 256 : i32
    %dma_start3A_313 = tpu.memref_slice %arg15[%dma_start3A_312] : memref<512xf32, #tpu.memory_space<vmem>> -> memref<256xf32, #tpu.memory_space<vmem>>
    tpu.enqueue_dma source(%dma_start3A_313 : memref<256xf32, #tpu.memory_space<vmem>>) target(%dma_start3A_311 : memref<256xf32, #tpu.memory_space<hbm>>) target_semaphore(%arg19 : memref<!tpu.dma_semaphore, #tpu.memory_space<semaphore_mem>>)
    %add3A_314 = arith.constant 65536 : i32
    %add3A_315 = arith.addi %add3A_314, %mul3A_2 : i32
    %add3A_316 = arith.constant 256 : i32
    %add3A_317 = arith.addi %add3A_315, %add3A_316 : i32
    %dma_start3A_318 = arith.constant 256 : i32
    %dma_start3A_319 = tpu.memref_slice %arg16[%dma_start3A_318] : memref<512xf32, #tpu.memory_space<vmem>> -> memref<256xf32, #tpu.memory_space<vmem>>
    %dma_start3A_320 = tpu.memref_slice %arg4[%add3A_317] : memref<114688xf32, #tpu.memory_space<hbm>> -> memref<256xf32, #tpu.memory_space<hbm>>
    %dma_start3A_321 = tpu.memref_slice %arg4[%add3A_317] : memref<114688xf32, #tpu.memory_space<hbm>> -> memref<256xf32, #tpu.memory_space<hbm>>
    %dma_start3A_322 = arith.constant 256 : i32
    %dma_start3A_323 = tpu.memref_slice %arg16[%dma_start3A_322] : memref<512xf32, #tpu.memory_space<vmem>> -> memref<256xf32, #tpu.memory_space<vmem>>
    tpu.enqueue_dma source(%dma_start3A_323 : memref<256xf32, #tpu.memory_space<vmem>>) target(%dma_start3A_321 : memref<256xf32, #tpu.memory_space<hbm>>) target_semaphore(%arg19 : memref<!tpu.dma_semaphore, #tpu.memory_space<semaphore_mem>>)
    %add3A_324 = arith.constant 81920 : i32
    %add3A_325 = arith.addi %add3A_324, %mul3A_2 : i32
    %add3A_326 = arith.constant 256 : i32
    %add3A_327 = arith.addi %add3A_325, %add3A_326 : i32
    %dma_start3A_328 = arith.constant 256 : i32
    %dma_start3A_329 = tpu.memref_slice %arg17[%dma_start3A_328] : memref<512xf32, #tpu.memory_space<vmem>> -> memref<256xf32, #tpu.memory_space<vmem>>
    %dma_start3A_330 = tpu.memref_slice %arg4[%add3A_327] : memref<114688xf32, #tpu.memory_space<hbm>> -> memref<256xf32, #tpu.memory_space<hbm>>
    %dma_start3A_331 = tpu.memref_slice %arg4[%add3A_327] : memref<114688xf32, #tpu.memory_space<hbm>> -> memref<256xf32, #tpu.memory_space<hbm>>
    %dma_start3A_332 = arith.constant 256 : i32
    %dma_start3A_333 = tpu.memref_slice %arg17[%dma_start3A_332] : memref<512xf32, #tpu.memory_space<vmem>> -> memref<256xf32, #tpu.memory_space<vmem>>
    tpu.enqueue_dma source(%dma_start3A_333 : memref<256xf32, #tpu.memory_space<vmem>>) target(%dma_start3A_331 : memref<256xf32, #tpu.memory_space<hbm>>) target_semaphore(%arg19 : memref<!tpu.dma_semaphore, #tpu.memory_space<semaphore_mem>>)
    %add3A_334 = arith.constant 98304 : i32
    %add3A_335 = arith.addi %add3A_334, %mul3A_2 : i32
    %add3A_336 = arith.constant 256 : i32
    %add3A_337 = arith.addi %add3A_335, %add3A_336 : i32
    %dma_start3A_338 = arith.constant 256 : i32
    %dma_start3A_339 = tpu.memref_slice %arg18[%dma_start3A_338] : memref<512xf32, #tpu.memory_space<vmem>> -> memref<256xf32, #tpu.memory_space<vmem>>
    %dma_start3A_340 = tpu.memref_slice %arg4[%add3A_337] : memref<114688xf32, #tpu.memory_space<hbm>> -> memref<256xf32, #tpu.memory_space<hbm>>
    %dma_start3A_341 = tpu.memref_slice %arg4[%add3A_337] : memref<114688xf32, #tpu.memory_space<hbm>> -> memref<256xf32, #tpu.memory_space<hbm>>
    %dma_start3A_342 = arith.constant 256 : i32
    %dma_start3A_343 = tpu.memref_slice %arg18[%dma_start3A_342] : memref<512xf32, #tpu.memory_space<vmem>> -> memref<256xf32, #tpu.memory_space<vmem>>
    tpu.enqueue_dma source(%dma_start3A_343 : memref<256xf32, #tpu.memory_space<vmem>>) target(%dma_start3A_341 : memref<256xf32, #tpu.memory_space<hbm>>) target_semaphore(%arg19 : memref<!tpu.dma_semaphore, #tpu.memory_space<semaphore_mem>>)
    %dma_wait3A_344 = arith.constant 0 : i32
    %dma_wait3A_345 = tpu.memref_slice %arg12[%dma_wait3A_344] : memref<512xf32, #tpu.memory_space<vmem>> -> memref<256xf32, #tpu.memory_space<vmem>>
    %dma_wait3A_346 = tpu.memref_slice %arg4[%add3A_153] : memref<114688xf32, #tpu.memory_space<hbm>> -> memref<256xf32, #tpu.memory_space<hbm>>
    %dma_wait3A_347 = tpu.memref_slice %arg4[%add3A_153] : memref<114688xf32, #tpu.memory_space<hbm>> -> memref<256xf32, #tpu.memory_space<hbm>>
    %dma_wait3A_348 = arith.constant 0 : i32
    %dma_wait3A_349 = tpu.memref_slice %arg12[%dma_wait3A_348] : memref<512xf32, #tpu.memory_space<vmem>> -> memref<256xf32, #tpu.memory_space<vmem>>
    tpu.wait_dma2 semaphore(%arg19 : memref<!tpu.dma_semaphore, #tpu.memory_space<semaphore_mem>>) src(%dma_wait3A_349 : memref<256xf32, #tpu.memory_space<vmem>>) dst(%dma_wait3A_347 : memref<256xf32, #tpu.memory_space<hbm>>)
    %dma_wait3A_350 = arith.constant 0 : i32
    %dma_wait3A_351 = tpu.memref_slice %arg13[%dma_wait3A_350] : memref<512xf32, #tpu.memory_space<vmem>> -> memref<256xf32, #tpu.memory_space<vmem>>
    %dma_wait3A_352 = tpu.memref_slice %arg4[%add3A_163] : memref<114688xf32, #tpu.memory_space<hbm>> -> memref<256xf32, #tpu.memory_space<hbm>>
    %dma_wait3A_353 = tpu.memref_slice %arg4[%add3A_163] : memref<114688xf32, #tpu.memory_space<hbm>> -> memref<256xf32, #tpu.memory_space<hbm>>
    %dma_wait3A_354 = arith.constant 0 : i32
    %dma_wait3A_355 = tpu.memref_slice %arg13[%dma_wait3A_354] : memref<512xf32, #tpu.memory_space<vmem>> -> memref<256xf32, #tpu.memory_space<vmem>>
    tpu.wait_dma2 semaphore(%arg19 : memref<!tpu.dma_semaphore, #tpu.memory_space<semaphore_mem>>) src(%dma_wait3A_355 : memref<256xf32, #tpu.memory_space<vmem>>) dst(%dma_wait3A_353 : memref<256xf32, #tpu.memory_space<hbm>>)
    %dma_wait3A_356 = arith.constant 0 : i32
    %dma_wait3A_357 = tpu.memref_slice %arg14[%dma_wait3A_356] : memref<512xf32, #tpu.memory_space<vmem>> -> memref<256xf32, #tpu.memory_space<vmem>>
    %dma_wait3A_358 = tpu.memref_slice %arg4[%add3A_173] : memref<114688xf32, #tpu.memory_space<hbm>> -> memref<256xf32, #tpu.memory_space<hbm>>
    %dma_wait3A_359 = tpu.memref_slice %arg4[%add3A_173] : memref<114688xf32, #tpu.memory_space<hbm>> -> memref<256xf32, #tpu.memory_space<hbm>>
    %dma_wait3A_360 = arith.constant 0 : i32
    %dma_wait3A_361 = tpu.memref_slice %arg14[%dma_wait3A_360] : memref<512xf32, #tpu.memory_space<vmem>> -> memref<256xf32, #tpu.memory_space<vmem>>
    tpu.wait_dma2 semaphore(%arg19 : memref<!tpu.dma_semaphore, #tpu.memory_space<semaphore_mem>>) src(%dma_wait3A_361 : memref<256xf32, #tpu.memory_space<vmem>>) dst(%dma_wait3A_359 : memref<256xf32, #tpu.memory_space<hbm>>)
    %dma_wait3A_362 = arith.constant 0 : i32
    %dma_wait3A_363 = tpu.memref_slice %arg15[%dma_wait3A_362] : memref<512xf32, #tpu.memory_space<vmem>> -> memref<256xf32, #tpu.memory_space<vmem>>
    %dma_wait3A_364 = tpu.memref_slice %arg4[%add3A_183] : memref<114688xf32, #tpu.memory_space<hbm>> -> memref<256xf32, #tpu.memory_space<hbm>>
    %dma_wait3A_365 = tpu.memref_slice %arg4[%add3A_183] : memref<114688xf32, #tpu.memory_space<hbm>> -> memref<256xf32, #tpu.memory_space<hbm>>
    %dma_wait3A_366 = arith.constant 0 : i32
    %dma_wait3A_367 = tpu.memref_slice %arg15[%dma_wait3A_366] : memref<512xf32, #tpu.memory_space<vmem>> -> memref<256xf32, #tpu.memory_space<vmem>>
    tpu.wait_dma2 semaphore(%arg19 : memref<!tpu.dma_semaphore, #tpu.memory_space<semaphore_mem>>) src(%dma_wait3A_367 : memref<256xf32, #tpu.memory_space<vmem>>) dst(%dma_wait3A_365 : memref<256xf32, #tpu.memory_space<hbm>>)
    %dma_wait3A_368 = arith.constant 0 : i32
    %dma_wait3A_369 = tpu.memref_slice %arg16[%dma_wait3A_368] : memref<512xf32, #tpu.memory_space<vmem>> -> memref<256xf32, #tpu.memory_space<vmem>>
    %dma_wait3A_370 = tpu.memref_slice %arg4[%add3A_193] : memref<114688xf32, #tpu.memory_space<hbm>> -> memref<256xf32, #tpu.memory_space<hbm>>
    %dma_wait3A_371 = tpu.memref_slice %arg4[%add3A_193] : memref<114688xf32, #tpu.memory_space<hbm>> -> memref<256xf32, #tpu.memory_space<hbm>>
    %dma_wait3A_372 = arith.constant 0 : i32
    %dma_wait3A_373 = tpu.memref_slice %arg16[%dma_wait3A_372] : memref<512xf32, #tpu.memory_space<vmem>> -> memref<256xf32, #tpu.memory_space<vmem>>
    tpu.wait_dma2 semaphore(%arg19 : memref<!tpu.dma_semaphore, #tpu.memory_space<semaphore_mem>>) src(%dma_wait3A_373 : memref<256xf32, #tpu.memory_space<vmem>>) dst(%dma_wait3A_371 : memref<256xf32, #tpu.memory_space<hbm>>)
    %dma_wait3A_374 = arith.constant 0 : i32
    %dma_wait3A_375 = tpu.memref_slice %arg17[%dma_wait3A_374] : memref<512xf32, #tpu.memory_space<vmem>> -> memref<256xf32, #tpu.memory_space<vmem>>
    %dma_wait3A_376 = tpu.memref_slice %arg4[%add3A_203] : memref<114688xf32, #tpu.memory_space<hbm>> -> memref<256xf32, #tpu.memory_space<hbm>>
    %dma_wait3A_377 = tpu.memref_slice %arg4[%add3A_203] : memref<114688xf32, #tpu.memory_space<hbm>> -> memref<256xf32, #tpu.memory_space<hbm>>
    %dma_wait3A_378 = arith.constant 0 : i32
    %dma_wait3A_379 = tpu.memref_slice %arg17[%dma_wait3A_378] : memref<512xf32, #tpu.memory_space<vmem>> -> memref<256xf32, #tpu.memory_space<vmem>>
    tpu.wait_dma2 semaphore(%arg19 : memref<!tpu.dma_semaphore, #tpu.memory_space<semaphore_mem>>) src(%dma_wait3A_379 : memref<256xf32, #tpu.memory_space<vmem>>) dst(%dma_wait3A_377 : memref<256xf32, #tpu.memory_space<hbm>>)
    %dma_wait3A_380 = arith.constant 0 : i32
    %dma_wait3A_381 = tpu.memref_slice %arg18[%dma_wait3A_380] : memref<512xf32, #tpu.memory_space<vmem>> -> memref<256xf32, #tpu.memory_space<vmem>>
    %dma_wait3A_382 = tpu.memref_slice %arg4[%add3A_213] : memref<114688xf32, #tpu.memory_space<hbm>> -> memref<256xf32, #tpu.memory_space<hbm>>
    %dma_wait3A_383 = tpu.memref_slice %arg4[%add3A_213] : memref<114688xf32, #tpu.memory_space<hbm>> -> memref<256xf32, #tpu.memory_space<hbm>>
    %dma_wait3A_384 = arith.constant 0 : i32
    %dma_wait3A_385 = tpu.memref_slice %arg18[%dma_wait3A_384] : memref<512xf32, #tpu.memory_space<vmem>> -> memref<256xf32, #tpu.memory_space<vmem>>
    tpu.wait_dma2 semaphore(%arg19 : memref<!tpu.dma_semaphore, #tpu.memory_space<semaphore_mem>>) src(%dma_wait3A_385 : memref<256xf32, #tpu.memory_space<vmem>>) dst(%dma_wait3A_383 : memref<256xf32, #tpu.memory_space<hbm>>)
    %dma_wait3A_386 = arith.constant 256 : i32
    %dma_wait3A_387 = tpu.memref_slice %arg12[%dma_wait3A_386] : memref<512xf32, #tpu.memory_space<vmem>> -> memref<256xf32, #tpu.memory_space<vmem>>
    %dma_wait3A_388 = tpu.memref_slice %arg4[%add3A_277] : memref<114688xf32, #tpu.memory_space<hbm>> -> memref<256xf32, #tpu.memory_space<hbm>>
    %dma_wait3A_389 = tpu.memref_slice %arg4[%add3A_277] : memref<114688xf32, #tpu.memory_space<hbm>> -> memref<256xf32, #tpu.memory_space<hbm>>
    %dma_wait3A_390 = arith.constant 256 : i32
    %dma_wait3A_391 = tpu.memref_slice %arg12[%dma_wait3A_390] : memref<512xf32, #tpu.memory_space<vmem>> -> memref<256xf32, #tpu.memory_space<vmem>>
    tpu.wait_dma2 semaphore(%arg19 : memref<!tpu.dma_semaphore, #tpu.memory_space<semaphore_mem>>) src(%dma_wait3A_391 : memref<256xf32, #tpu.memory_space<vmem>>) dst(%dma_wait3A_389 : memref<256xf32, #tpu.memory_space<hbm>>)
    %dma_wait3A_392 = arith.constant 256 : i32
    %dma_wait3A_393 = tpu.memref_slice %arg13[%dma_wait3A_392] : memref<512xf32, #tpu.memory_space<vmem>> -> memref<256xf32, #tpu.memory_space<vmem>>
    %dma_wait3A_394 = tpu.memref_slice %arg4[%add3A_287] : memref<114688xf32, #tpu.memory_space<hbm>> -> memref<256xf32, #tpu.memory_space<hbm>>
    %dma_wait3A_395 = tpu.memref_slice %arg4[%add3A_287] : memref<114688xf32, #tpu.memory_space<hbm>> -> memref<256xf32, #tpu.memory_space<hbm>>
    %dma_wait3A_396 = arith.constant 256 : i32
    %dma_wait3A_397 = tpu.memref_slice %arg13[%dma_wait3A_396] : memref<512xf32, #tpu.memory_space<vmem>> -> memref<256xf32, #tpu.memory_space<vmem>>
    tpu.wait_dma2 semaphore(%arg19 : memref<!tpu.dma_semaphore, #tpu.memory_space<semaphore_mem>>) src(%dma_wait3A_397 : memref<256xf32, #tpu.memory_space<vmem>>) dst(%dma_wait3A_395 : memref<256xf32, #tpu.memory_space<hbm>>)
    %dma_wait3A_398 = arith.constant 256 : i32
    %dma_wait3A_399 = tpu.memref_slice %arg14[%dma_wait3A_398] : memref<512xf32, #tpu.memory_space<vmem>> -> memref<256xf32, #tpu.memory_space<vmem>>
    %dma_wait3A_400 = tpu.memref_slice %arg4[%add3A_297] : memref<114688xf32, #tpu.memory_space<hbm>> -> memref<256xf32, #tpu.memory_space<hbm>>
    %dma_wait3A_401 = tpu.memref_slice %arg4[%add3A_297] : memref<114688xf32, #tpu.memory_space<hbm>> -> memref<256xf32, #tpu.memory_space<hbm>>
    %dma_wait3A_402 = arith.constant 256 : i32
    %dma_wait3A_403 = tpu.memref_slice %arg14[%dma_wait3A_402] : memref<512xf32, #tpu.memory_space<vmem>> -> memref<256xf32, #tpu.memory_space<vmem>>
    tpu.wait_dma2 semaphore(%arg19 : memref<!tpu.dma_semaphore, #tpu.memory_space<semaphore_mem>>) src(%dma_wait3A_403 : memref<256xf32, #tpu.memory_space<vmem>>) dst(%dma_wait3A_401 : memref<256xf32, #tpu.memory_space<hbm>>)
    %dma_wait3A_404 = arith.constant 256 : i32
    %dma_wait3A_405 = tpu.memref_slice %arg15[%dma_wait3A_404] : memref<512xf32, #tpu.memory_space<vmem>> -> memref<256xf32, #tpu.memory_space<vmem>>
    %dma_wait3A_406 = tpu.memref_slice %arg4[%add3A_307] : memref<114688xf32, #tpu.memory_space<hbm>> -> memref<256xf32, #tpu.memory_space<hbm>>
    %dma_wait3A_407 = tpu.memref_slice %arg4[%add3A_307] : memref<114688xf32, #tpu.memory_space<hbm>> -> memref<256xf32, #tpu.memory_space<hbm>>
    %dma_wait3A_408 = arith.constant 256 : i32
    %dma_wait3A_409 = tpu.memref_slice %arg15[%dma_wait3A_408] : memref<512xf32, #tpu.memory_space<vmem>> -> memref<256xf32, #tpu.memory_space<vmem>>
    tpu.wait_dma2 semaphore(%arg19 : memref<!tpu.dma_semaphore, #tpu.memory_space<semaphore_mem>>) src(%dma_wait3A_409 : memref<256xf32, #tpu.memory_space<vmem>>) dst(%dma_wait3A_407 : memref<256xf32, #tpu.memory_space<hbm>>)
    %dma_wait3A_410 = arith.constant 256 : i32
    %dma_wait3A_411 = tpu.memref_slice %arg16[%dma_wait3A_410] : memref<512xf32, #tpu.memory_space<vmem>> -> memref<256xf32, #tpu.memory_space<vmem>>
    %dma_wait3A_412 = tpu.memref_slice %arg4[%add3A_317] : memref<114688xf32, #tpu.memory_space<hbm>> -> memref<256xf32, #tpu.memory_space<hbm>>
    %dma_wait3A_413 = tpu.memref_slice %arg4[%add3A_317] : memref<114688xf32, #tpu.memory_space<hbm>> -> memref<256xf32, #tpu.memory_space<hbm>>
    %dma_wait3A_414 = arith.constant 256 : i32
    %dma_wait3A_415 = tpu.memref_slice %arg16[%dma_wait3A_414] : memref<512xf32, #tpu.memory_space<vmem>> -> memref<256xf32, #tpu.memory_space<vmem>>
    tpu.wait_dma2 semaphore(%arg19 : memref<!tpu.dma_semaphore, #tpu.memory_space<semaphore_mem>>) src(%dma_wait3A_415 : memref<256xf32, #tpu.memory_space<vmem>>) dst(%dma_wait3A_413 : memref<256xf32, #tpu.memory_space<hbm>>)
    %dma_wait3A_416 = arith.constant 256 : i32
    %dma_wait3A_417 = tpu.memref_slice %arg17[%dma_wait3A_416] : memref<512xf32, #tpu.memory_space<vmem>> -> memref<256xf32, #tpu.memory_space<vmem>>
    %dma_wait3A_418 = tpu.memref_slice %arg4[%add3A_327] : memref<114688xf32, #tpu.memory_space<hbm>> -> memref<256xf32, #tpu.memory_space<hbm>>
    %dma_wait3A_419 = tpu.memref_slice %arg4[%add3A_327] : memref<114688xf32, #tpu.memory_space<hbm>> -> memref<256xf32, #tpu.memory_space<hbm>>
    %dma_wait3A_420 = arith.constant 256 : i32
    %dma_wait3A_421 = tpu.memref_slice %arg17[%dma_wait3A_420] : memref<512xf32, #tpu.memory_space<vmem>> -> memref<256xf32, #tpu.memory_space<vmem>>
    tpu.wait_dma2 semaphore(%arg19 : memref<!tpu.dma_semaphore, #tpu.memory_space<semaphore_mem>>) src(%dma_wait3A_421 : memref<256xf32, #tpu.memory_space<vmem>>) dst(%dma_wait3A_419 : memref<256xf32, #tpu.memory_space<hbm>>)
    %dma_wait3A_422 = arith.constant 256 : i32
    %dma_wait3A_423 = tpu.memref_slice %arg18[%dma_wait3A_422] : memref<512xf32, #tpu.memory_space<vmem>> -> memref<256xf32, #tpu.memory_space<vmem>>
    %dma_wait3A_424 = tpu.memref_slice %arg4[%add3A_337] : memref<114688xf32, #tpu.memory_space<hbm>> -> memref<256xf32, #tpu.memory_space<hbm>>
    %dma_wait3A_425 = tpu.memref_slice %arg4[%add3A_337] : memref<114688xf32, #tpu.memory_space<hbm>> -> memref<256xf32, #tpu.memory_space<hbm>>
    %dma_wait3A_426 = arith.constant 256 : i32
    %dma_wait3A_427 = tpu.memref_slice %arg18[%dma_wait3A_426] : memref<512xf32, #tpu.memory_space<vmem>> -> memref<256xf32, #tpu.memory_space<vmem>>
    tpu.wait_dma2 semaphore(%arg19 : memref<!tpu.dma_semaphore, #tpu.memory_space<semaphore_mem>>) src(%dma_wait3A_427 : memref<256xf32, #tpu.memory_space<vmem>>) dst(%dma_wait3A_425 : memref<256xf32, #tpu.memory_space<hbm>>)
    return
  }
}

</mosaic_0001>

<sc_bundles>
// kernel: kernel.3.cloned.1.call-start
scs
__scs_entry_jumppad:
0x0: {  	(pc) =	sbr.rel $0x88, $3  }
0x1: {  	(tag) =	ssettag $0x0;
	lr =	simm.s32 $0x1  }
0x2: {  	[smem:$0x3F9F] =	sst lr;
	_ =	strace $0xD0000000  }
0x3: {  	_ = 	snop  }
0x4: {  	_ = 	snop  }
0x5: {  	_ = 	snop  }
0x6: {  	_ = 	snop  }
0x7: {  	_ = 	snop  }
__scs_overlays_trampoline_lowered:
0x8: {  	[smem:$0x3FAE] =	sst s0  }
0x9: {  	[smem:$0x3FAF] =	sst s1  }
0xa: {  	[smem:$0x3FB0] =	sst s2  }
0xb: {  	[smem:$0x3FB1] =	sst s3  }
0xc: {  	[smem:$0x3FB2] =	sst s4  }
0xd: {  	[smem:$0x3FB3] =	sst s5  }
0xe: {  	[smem:$0x3FB4] =	sst s6  }
0xf: {  	[smem:$0x3FB5] =	sst s7  }
0x10: {  	[smem:$0x3FB6] =	sst s8  }
0x11: {  	[smem:$0x3FB7] =	sst s9;
	s0 =	simm.s32 @!p0 $0x0  }
0x12: {  	s1 =	sld [smem:$0x3F9D];
	s0 =	simm.s32 @p0 $0x1  }
0x13: {  	[smem:$0x3FB8] =	sst s0;
	s0 =	simm.s32 @!p1 $0x0  }
0x14: {  	s2 =	sld [smem:$0x3F9C];
	s0 =	simm.s32 @p1 $0x1  }
0x15: {  	[smem:$0x3FB9] =	sst s0;
	s0 =	simm.s32 @!p2 $0x0  }
0x16: {  	s3 =	sld [smem:$0x3FDB];
	s0 =	simm.s32 @p2 $0x1  }
0x17: {  	s4 =	simm.s32 $0x1BF5;
	[smem:$0x3FBB] =	sst s0  }
0x18: {  	s0 =	sld [smem:$0x3F9E];
	_ =	swait.ge [sflag:s4], $0x0  }
0x19: {  	s7 =	sld [smem:$0x3F9F]  }
0x1a: {  	s8 =	sadd.s32 $0xFFFFE003, lr  }
0x1b: {  	s9 =	sadd.s32 $0xFFFFFEF7, lr;
	s5 =	simm.s32 $0xFFFFFFFF;
	p2 =	slt.u32 s8, $0xFFFFF086  }
0x1c: {  	p1 =	slt.u32 s9, $0xF7A;
	s5 =	simm.s32 @!p2 $0x0  }
0x1d: {  	s5 =	simm.s32 @p1 $0x1;
	p0 =	seq.s32 s7, s2  }
0x1e: {  	s7 =	smul.u32 @!p0 $0xF7A, s2;
	p2 =	seq.s32 @!p0 s5, $0x0  }
0x1f: {  	s9 =	smul.u32 $0xF7A, s1;
	s8 =	simm.s32 @!p0 $0x1BF5;
	p2 =	por !p2, p0  }
0x20: {  	[sflag:s8] =	ssyncset.s32 @!p0 $0xFFFFF086;
	s6 =	sadd.s32 @!p0 s3, s7;
	s7 =	simm.s32 @!p0 $0x108  }
0x21: {  	s3 =	sadd.s32 s3, s9;
	s6 =	sadd.s32 @!p0 $0x88, s6;
	s7 =	simm.s32 @p2 $0x1082  }
0x22: {  	[simem:s7], [sflag:s8] =	dma.local @!p0 [hbm:s6], $0xF7A  }
0x23: {  	s9 =	sor.u32 $0xD0000000, s2;
	s6 =	simm.s32 $0x108;
	_ =	swait.ge @!p0 [sflag:s8], $0x0  }
0x24: {  	s3 =	sadd.s32 $0x88, s3;
	s6 =	simm.s32 @!p1 $0x1082;
	[sflag:s4] =	ssyncset.s32 $0xFFFFF086  }
0x25: {  	[simem:s6], [sflag:s4] =	dma.local [hbm:s3], $0xF7A  }
0x26: {  	[smem:$0x3F9F] =	sst s1;
	(tag) =	ssettag s2;
	_ =	strace s9  }
0x27: {  	s1 =	sld [smem:$0x3FAF]  }
0x28: {  	s2 =	sld [smem:$0x3FB0]  }
0x29: {  	s4 =	sld [smem:$0x3FB2]  }
0x2a: {  	p0 =	seq.s32 s5, $0x0;
	s5 =	sld [smem:$0x3FB3]  }
0x2b: {  	s6 =	sld [smem:$0x3FB4]  }
0x2c: {  	s7 =	sld [smem:$0x3FB5]  }
0x2d: {  	s3 =	simm.s32 $0x108;
	s8 =	sld [smem:$0x3FB6]  }
0x2e: {  	s3 =	simm.s32 @!p0 $0x1082;
	s9 =	sld [smem:$0x3FB7]  }
0x2f: {  	lr =	sadd.s32 s0, s3;
	s0 =	sld [smem:$0x3FAE]  }
0x30: {  	s3 =	sld [smem:$0x3FB1]  }
0x31: {  	[smem:$0x3FBA] =	sst s10  }
0x32: {  	s10 =	sld [smem:$0x3FB8];
	_ =	sdelay $0x3  }
0x33: {  	p0 =	seq.s32 s10, $0x1;
	s10 =	sld [smem:$0x3FBA];
	_ =	sdelay $0x3  }
0x34: {  	[smem:$0x3FBA] =	sst s10  }
0x35: {  	s10 =	sld [smem:$0x3FB9];
	_ =	sdelay $0x3  }
0x36: {  	p1 =	seq.s32 s10, $0x1;
	s10 =	sld [smem:$0x3FBA];
	_ =	sdelay $0x3  }
0x37: {  	[smem:$0x3FBA] =	sst s10  }
0x38: {  	s10 =	sld [smem:$0x3FBB]  }
0x39: {  	_ = 	snop;
	(pc) =	sbr.ind lr, $3  }
0x3a: {  	_ = 	snop  }
0x3b: {  	_ = 	snop  }
0x3c: {  	p2 =	seq.s32 s10, $0x1;
	s10 =	sld [smem:$0x3FBA]  }
0x3d: {  	_ =	shalt  }
0x3e: {  	_ =	shalt  }
0x3f: {  	_ =	shalt  }
0x40: {  	_ =	shalt  }
0x41: {  	_ =	shalt  }
0x42: {  	_ =	shalt  }
0x43: {  	_ =	shalt  }
0x44: {  	_ =	shalt  }
0x45: {  	_ =	shalt  }
0x46: {  	_ =	shalt  }
0x47: {  	_ =	shalt  }
0x48: {  	_ =	shalt  }
0x49: {  	_ =	shalt  }
0x4a: {  	_ =	shalt  }
0x4b: {  	_ =	shalt  }
0x4c: {  	_ =	shalt  }
0x4d: {  	_ =	shalt  }
0x4e: {  	_ =	shalt  }
0x4f: {  	_ =	shalt  }
0x50: {  	_ =	shalt  }
0x51: {  	_ =	shalt  }
0x52: {  	_ =	shalt  }
0x53: {  	_ =	shalt  }
0x54: {  	_ =	shalt  }
0x55: {  	_ =	shalt  }
0x56: {  	_ =	shalt  }
0x57: {  	_ =	shalt  }
0x58: {  	_ =	shalt  }
0x59: {  	_ =	shalt  }
0x5a: {  	_ =	shalt  }
0x5b: {  	_ =	shalt  }
0x5c: {  	_ =	shalt  }
0x5d: {  	_ =	shalt  }
0x5e: {  	_ =	shalt  }
0x5f: {  	_ =	shalt  }
0x60: {  	_ =	shalt  }
0x61: {  	_ =	shalt  }
0x62: {  	_ =	shalt  }
0x63: {  	_ =	shalt  }
0x64: {  	_ =	shalt  }
0x65: {  	_ =	shalt  }
0x66: {  	_ =	shalt  }
0x67: {  	_ =	shalt  }
0x68: {  	_ =	shalt  }
0x69: {  	_ =	shalt  }
0x6a: {  	_ =	shalt  }
0x6b: {  	_ =	shalt  }
0x6c: {  	_ =	shalt  }
0x6d: {  	_ =	shalt  }
0x6e: {  	_ =	shalt  }
0x6f: {  	_ =	shalt  }
0x70: {  	_ =	shalt  }
0x71: {  	_ =	shalt  }
0x72: {  	_ =	shalt  }
0x73: {  	_ =	shalt  }
0x74: {  	_ =	shalt  }
0x75: {  	_ =	shalt  }
0x76: {  	_ =	shalt  }
0x77: {  	_ =	shalt  }
0x78: {  	_ =	shalt  }
0x79: {  	_ =	shalt  }
0x7a: {  	_ =	shalt  }
0x7b: {  	_ =	shalt  }
0x7c: {  	_ =	shalt  }
0x7d: {  	_ =	shalt  }
0x7e: {  	_ =	shalt  }
0x7f: {  	_ =	shalt  }
0x80: {  	_ =	shalt  }
0x81: {  	_ =	shalt  }
0x82: {  	_ =	shalt  }
0x83: {  	_ =	shalt  }
0x84: {  	_ =	shalt  }
0x85: {  	_ =	shalt  }
0x86: {  	_ =	shalt  }
0x87: {  	_ =	shalt  }
.Lfunc_end0:
.L_simem_size_0:
called_computation_lowered:
.L_overlay_start_0:
0x88: {  	s2 =	sld [smem:$0x3FD9]  }
0x89: {  	s3 =	sld [smem:$0x3FFE];
	_ =	sdelay $0x1  }
0x8a: {  	s1 =	srdreg.scid  }
0x8b: {  	s0 =	sand.u32 $0x1, s1  }
0x8c: {  	s17 =	sshll.u32 s0, $0xA;
	s2 =	sadd.s32 s3, s2  }
0x8d: {  	s2 =	sadd.s32 s2, s17  }
0x8e: {  	[smem:$0x3FC6] =	sst s2  }
0x8f: {  	_ = 	snop  }
0x90: {  	s2 =	sld [smem:$0x3FC9];
	(tm) =	ssettm $0x1  }
0x91: {  	s18 =	sld [smem:$0x3FFB];
	_ =	sdelay $0x3  }
0x92: {  	_ =	strace s18  }
0x93: {  	s3 =	sld [smem:$0x3FFC];
	_ =	sdelay $0x3  }
0x94: {  	_ =	strace s3  }
0x95: {  	s3 =	sld [smem:$0x3FFD];
	_ =	sdelay $0x3  }
0x96: {  	_ =	strace s3  }
0x97: {  	_ =	strace $0x8FFFFFFF  }
0x98: {  	s19 =	sld [smem:$0x3FDB];
	_ =	sdelay $0x1  }
0x99: {  	s4 =	simm.s32 $_scs_section_size  }
0x9a: {  	s5 =	simm.s32 $_size__tile_overlayer_lowered;
	s6 =	simm.s32 $_tile_overlayer_lowered  }
0x9b: {  	s22 =	simm.s32 $0x1BFF;
	s21 =	sshll.u32 s6, $0x1;
	s3 =	sadd.s32 s4, s19  }
0x9c: {  	s7 =	simm.s32 $0x0;
	s20 =	sshll.u32 s5, $0x1;
	s5 =	sadd.s32 s21, s3  }
0x9d: {  	[timem:s7], [sflag:s22] =	dma.local [hbm:s5], s20  }
0x9e: {  	_ =	swait.ge [sflag:s22], s20  }
0x9f: {  	s4 =	ssub.s32 $0x0, s20;
	[sflag:s22] =	ssyncset.done $0x0  }
0xa0: {  	[sflag:s22] =	ssyncadd.s32 s4;
	_ =	sdelay $0x1  }
0xa1: {  	s23 =	simm.s32 $0x1B8B  }
0xa2: {  	_ =	swait.ge [sflag:s23], $0x1  }
0xa3: {  	[sflag:s23] =	ssyncset.done $0x0  }
0xa4: {  	s25 =	simm.s32 $0x1B8E;
	s24 =	sld [smem:$0x3FFE];
	[sflag:s23] =	ssyncadd.s32 $0xFFFFFFFF  }
0xa5: {  	s26 =	simm.s32 $execute0_lowered;
	[smem:$0x3FD2] =	sst s25  }
0xa6: {  	s5 =	sshll.u32 s26, $0x1;
	_ =	strace $0x80000046;
	[dreg:$0x1] =	wrdreg $0xFFFFFFFF  }
0xa7: {  	s28 =	simm.s32 $_size_execute0_lowered;
	s3 =	sadd.s32 s3, s5;
	[dreg:$0x0] =	wrdreg $0x0  }
0xa8: {  	s5 =	sshll.u32 s28, $0x1;
	[dreg:$0x2] =	wrdreg s3  }
0xa9: {  	[dreg:$0x3] =	wrdreg s5  }
0xaa: {  	[dreg:$0x4] =	wrdreg $0xC0  }
0xab: {  	_ =	task [dreg:s7], $0x5FFFF  }
0xac: {  	[dreg:$0x1] =	wrdreg $0xFFFFFFFF  }
0xad: {  	[dreg:$0x0] =	wrdreg $0x60  }
0xae: {  	[dreg:$0x2] =	wrdreg s2  }
0xaf: {  	[dreg:$0x3] =	wrdreg s24  }
0xb0: {  	[dreg:$0x4] =	wrdreg $0x9  }
0xb1: {  	_ =	task.clear_ibuf [dreg:s7], $0x5FFFF;
	_ =	strace $0x90000046  }
0xb2: {  	s29 =	simm.s32 $0x9;
	_ =	strace $0x80000048  }
0xb3: {  	_ =	swait.ge [sflag:s29], $0x1  }
0xb4: {  	[sflag:s29] =	ssyncadd.s32 $0xFFFFFFFF  }
0xb5: {  	_ =	strace $0x90000048  }
0xb6: {  	_ =	sfence  }
0xb7: {  	s30 =	sld [smem:$0x0];
	_ =	sdelay $0x2  }
0xb8: {  	s31 =	sshll.u32 s1, $0xD;
	s1 =	sshrl.u32 s1, $0x2  }
0xb9: {  	s3 =	sand.u32 $0x4000, s31;
	s1 =	sadd.s32 s1, s30  }
0xba: {  	s0 =	sor.u32 s3, s0;
	s1 =	sshll.u32 s1, $0x11  }
0xbb: {  	s0 =	sor.u32 s1, s0  }
0xbc: {  	s0 =	sadd.s32 $0x8F2B, s0  }
0xbd: {  	[sflag:s0] =	ssyncadd.remote.s32 $0x1  }
0xbe: {  	_ =	sfence.sel $0xFFFF  }
0xbf: {  	[dreg:$0x0] =	wrdreg $0xFFFFFFFF;
	(pc) =	sbr.abs _section_cstart, $3  }
0xc0: {  	[dreg:$0x1] =	wrdreg $0xFFFFFFFF  }
0xc1: {  	_ =	task.clear_ibuf [dreg:s7], $0x2FFFF;
	_ =	strace $0x9FFFFFFF  }
0xc2: {  	(tm) =	ssettm $0x7FFFFFFF  }
0xc3: {  	_ =	shalt  }
tec
execute0_lowered:
.L_overlay_start_1:
0x0: {  	(tag) =	ssettag $0x1  }
0x1: {  	s0 =	rddreg [dreg:$0x0]  }
0x2: {  	s1 =	rddreg [dreg:$0x1];
	s2 =	simm.s32 $0x0  }
0x3: {  	s3 =	srdreg.scid;
	s4 =	stileid.u32;
	s25 =	simm.s32 $0x2  }
0x4: {  	s26 =	simm.s32 $0x100;
	s28 =	simm.s32 $0x1;
	[smem:$0x7FF] =	sst s2  }
0x5: {  	s3 =	sand.u32 $0x1, s3;
	s4 =	sshll.u32 s4, $0x7;
	s7 =	sadd.s32 $0x96A0, s1  }
0x6: {  	s8 =	sadd.s32 $0xC780, s1;
	s9 =	sadd.s32 $0xF860, s1;
	s5 =	sshll.u32 s3, $0x6  }
0x7: {  	s6 =	ssub.s32 $0x2, s3;
	_ =	strace $0x80000047;
	s3 =	sadd.s32 $0x400, s1  }
0x8: {  	s4 =	sor.u32 s5, s4;
	s31 =	sshrl.u32 s6, $0x1;
	s5 =	sadd.s32 $0x34E0, s1  }
0x9: {  	s23 =	sadd.s32 s4, s1;
	s24 =	ssub.s32 s6, s31;
	s4 =	sadd.s32 s0, s4  }
0xa: {  	s6 =	sadd.s32 $0x65C0, s1;
	s0 =	simm.s32 $0x1B00;
	s1 =	simm.s32 $0x0  }
0xb: {  	s10 =	sadd.s32 $0x18C00, s23;
	s11 =	sadd.s32 $0x19400, s23;
	s12 =	sadd.s32 $0x19C00, s23  }
0xc: {  	s13 =	sadd.s32 $0x1A400, s23;
	s14 =	sadd.s32 $0x1AC00, s23;
	s15 =	sadd.s32 $0x1B400, s23  }
0xd: {  	s16 =	sadd.s32 $0x1BC00, s23;
	s17 =	sadd.s32 $0x18C20, s23;
	s18 =	sadd.s32 $0x19420, s23  }
0xe: {  	s19 =	sadd.s32 $0x19C20, s23;
	s20 =	sadd.s32 $0x1A420, s23;
	s21 =	sadd.s32 $0x1AC20, s23  }
0xf: {  	s22 =	sadd.s32 $0x1B420, s23;
	s23 =	sadd.s32 $0x1BC20, s23;
	s24 =	smax.u32 s24, $0x1  }
.LBB2_1:
0x10: {  	[tilespmem:s2], [sflag:$0x2] =	stream.linear.gather [hbm4b:s4+s2], $0x200, $0x38;
	[tilespmem:$0x1C00] =	vst v63  }
0x11: {  	_ =	swait.ge [sflag:s25], $0x200  }
0x12: {  	[sflag:s25] =	ssyncset.done $0x0  }
0x13: {  	s29 =	simm.s32 $0x200;
	[sflag:s25] =	ssyncadd.s32 $0xFFFFFE00  }
0x14: {  	[tilespmem:s29], [sflag:$0x1] =	stream.indirect.gather [hbm4b:s3+s26], $0x1, s2, s26, $0xb8;
	[tilespmem:$0x1C00] =	vst v63  }
0x15: {  	s29 =	simm.s32 $0x400  }
0x16: {  	[tilespmem:s29], [sflag:$0x1] =	stream.indirect.gather [hbm4b:s5+s26], $0x1, s2, s26, $0xb8;
	[tilespmem:$0x1C00] =	vst v63  }
0x17: {  	s29 =	simm.s32 $0x600  }
0x18: {  	[tilespmem:s29], [sflag:$0x1] =	stream.indirect.gather [hbm4b:s6+s26], $0x1, s2, s26, $0xb8;
	[tilespmem:$0x1C00] =	vst v63  }
0x19: {  	s29 =	simm.s32 $0x800  }
0x1a: {  	[tilespmem:s29], [sflag:$0x1] =	stream.indirect.gather [hbm4b:s7+s26], $0x1, s2, s26, $0xb8;
	[tilespmem:$0x1C00] =	vst v63  }
0x1b: {  	s29 =	simm.s32 $0xA00  }
0x1c: {  	[tilespmem:s29], [sflag:$0x1] =	stream.indirect.gather [hbm4b:s8+s26], $0x1, s2, s26, $0xb8;
	[tilespmem:$0x1C00] =	vst v63  }
0x1d: {  	s29 =	simm.s32 $0xC00  }
0x1e: {  	[tilespmem:s29], [sflag:$0x1] =	stream.indirect.gather [hbm4b:s9+s26], $0x1, s2, s26, $0xb8;
	[tilespmem:$0x1C00] =	vst v63  }
0x1f: {  	s29 =	simm.s32 $0x300  }
0x20: {  	[tilespmem:s29], [sflag:$0x1] =	stream.indirect.gather [hbm4b:s3+s26], $0x1, s26, s26, $0xb8;
	[tilespmem:$0x1C00] =	vst v63  }
0x21: {  	s29 =	simm.s32 $0x500  }
0x22: {  	[tilespmem:s29], [sflag:$0x1] =	stream.indirect.gather [hbm4b:s5+s26], $0x1, s26, s26, $0xb8;
	[tilespmem:$0x1C00] =	vst v63  }
0x23: {  	s29 =	simm.s32 $0x700  }
0x24: {  	[tilespmem:s29], [sflag:$0x1] =	stream.indirect.gather [hbm4b:s6+s26], $0x1, s26, s26, $0xb8;
	[tilespmem:$0x1C00] =	vst v63  }
0x25: {  	s29 =	simm.s32 $0x900  }
0x26: {  	[tilespmem:s29], [sflag:$0x1] =	stream.indirect.gather [hbm4b:s7+s26], $0x1, s26, s26, $0xb8;
	[tilespmem:$0x1C00] =	vst v63  }
0x27: {  	s29 =	simm.s32 $0xB00  }
0x28: {  	[tilespmem:s29], [sflag:$0x1] =	stream.indirect.gather [hbm4b:s8+s26], $0x1, s26, s26, $0xb8;
	[tilespmem:$0x1C00] =	vst v63  }
0x29: {  	s29 =	simm.s32 $0xD00  }
0x2a: {  	[tilespmem:s29], [sflag:$0x1] =	stream.indirect.gather [hbm4b:s9+s26], $0x1, s26, s26, $0xb8;
	[tilespmem:$0x1C00] =	vst v63  }
0x2b: {  	_ =	swait.ge [sflag:s28], $0x100  }
0x2c: {  	[sflag:s28] =	ssyncset.done $0x0  }
0x2d: {  	[sflag:s28] =	ssyncadd.s32 $0xFFFFFF00  }
0x2e: {  	_ =	swait.ge [sflag:s28], $0x100  }
0x2f: {  	[sflag:s28] =	ssyncset.done $0x0  }
0x30: {  	[sflag:s28] =	ssyncadd.s32 $0xFFFFFF00  }
0x31: {  	_ =	swait.ge [sflag:s28], $0x100  }
0x32: {  	[sflag:s28] =	ssyncset.done $0x0  }
0x33: {  	[sflag:s28] =	ssyncadd.s32 $0xFFFFFF00  }
0x34: {  	_ =	swait.ge [sflag:s28], $0x100  }
0x35: {  	[sflag:s28] =	ssyncset.done $0x0  }
0x36: {  	[sflag:s28] =	ssyncadd.s32 $0xFFFFFF00  }
0x37: {  	_ =	swait.ge [sflag:s28], $0x100  }
0x38: {  	[sflag:s28] =	ssyncset.done $0x0  }
0x39: {  	[sflag:s28] =	ssyncadd.s32 $0xFFFFFF00  }
0x3a: {  	_ =	swait.ge [sflag:s28], $0x100  }
0x3b: {  	[sflag:s28] =	ssyncset.done $0x0  }
0x3c: {  	s29 =	simm.s32 $0x0;
	[sflag:s28] =	ssyncadd.s32 $0xFFFFFF00  }
0x3d: {  	v2 =	vld [tilespmem:s29+$0x800]  }
0x3e: {  	v0 =	vld [tilespmem:s29+$0xA00];
	_ =	sdelay $0x1  }
0x3f: {  	v1 =	vld [tilespmem:s29+$0xC00];
	_ =	sdelay $0x2  }
0x40: {  	v3 =	vmul.f32 v2, v2;
	v4 =	vmul.f32 v0, v0;
	_ =	sdelay $0x1  }
0x41: {  	v3 =	vadd.f32 v4, v3;
	v4 =	vmul.f32 v1, v1;
	_ =	sdelay $0x1  }
0x42: {  	v7 =	vld [tilespmem:s29+$0x600];
	v3 =	vadd.f32 v4, v3;
	_ =	sdelay $0x1  }
0x43: {  	v5 =	vld [tilespmem:s29+$0x200];
	v4 =	vmul.f32 $-2.480158760e-05, v3  }
0x44: {  	v6 =	vld [tilespmem:s29+$0x400]  }
0x45: {  	v8 =	vmul.f32 $-1.550099230e-06, v3;
	v9 =	vmul.f32 $-2.755731880e-06, v3;
	v4 =	vadd.f32 $1.388888920e-03, v4  }
0x46: {  	v12 =	vmul.f32 v0, v7;
	v10 =	vmul.f32 $-2.170138940e-05, v3  }
0x47: {  	v11 =	vadd.f32 $2.604166800e-04, v8;
	v8 =	vadd.f32 $1.984127010e-04, v9;
	v4 =	vmul.f32 v4, v3  }
0x48: {  	v13 =	vmul.f32 v2, v7;
	v9 =	vadd.f32 $2.604166740e-03, v10;
	v10 =	vmul.f32 v1, v5  }
0x49: {  	v15 =	vmul.f32 v1, v6;
	v14 =	vmul.f32 v8, v3;
	v4 =	vadd.f32 $-4.166666790e-02, v4  }
0x4a: {  	v16 =	vmul.f32 v2, v6;
	v17 =	vmul.f32 v0, v5;
	v8 =	vsub.f32 v10, v13  }
0x4b: {  	v10 =	vsub.f32 v12, v15;
	v19 =	vadd.f32 $-8.333333770e-03, v14;
	v18 =	vmul.f32 v4, v3  }
0x4c: {  	s30 =	simm.s32 $0x10;
	v13 =	vmul.f32 v11, v3;
	v12 =	vsub.f32 v16, v17;
	v14 =	vmul.f32 v8, v2  }
0x4d: {  	s31 =	simm.s32 $0x80;
	v16 =	vmul.f32 v10, v0;
	v4 =	vld [tilespmem:s30+$0x800];
	v15 =	vmul.f32 v19, v3;
	v11 =	vadd.f32 $5.000000000e-01, v18  }
.LBB2_2:
0x4e: {  	p0 =	sne.s32 s31, $0x3C0;
	v17 =	vld [tilespmem:s30+$0xA00];
	v13 =	vadd.f32 $-2.083333400e-02, v13;
	v9 =	vmul.f32 v9, v3;
	v18 =	vmul.f32 v12, v0  }
0x4f: {  	v15 =	vadd.f32 $1.666666720e-01, v15;
	v14 =	vsub.f32 v14, v16;
	v16 =	vmul.f32 v11, v12  }
0x50: {  	v20 =	vmul.f32 v8, v1;
	v21 =	vmul.f32 v10, v1;
	v19 =	vld [tilespmem:s30+$0xC00];
	v9 =	vadd.f32 $-1.250000000e-01, v9  }
0x51: {  	v12 =	vmul.f32 v12, v2;
	v7 =	vadd.f32 v16, v7;
	v14 =	vmul.f32 v15, v14  }
0x52: {  	v10 =	vmul.f32 v11, v10;
	v8 =	vmul.f32 v11, v8;
	v16 =	vsub.f32 v18, v20  }
0x53: {  	v11 =	vmul.f32 v4, v4;
	v18 =	vmul.f32 v17, v17;
	v7 =	vadd.f32 v7, v14  }
0x54: {  	v13 =	vmul.f32 v13, v3;
	v12 =	vsub.f32 v21, v12;
	v5 =	vadd.f32 v10, v5  }
0x55: {  	v6 =	vadd.f32 v8, v6;
	v10 =	vadd.f32 v18, v11;
	v11 =	vmul.f32 v19, v19;
	[tilespmem:s29+$0x1200] =	vst v7  }
0x56: {  	v8 =	vadd.f32 $5.000000000e-01, v13;
	v13 =	vmul.f32 v15, v16;
	v12 =	vmul.f32 v15, v12  }
0x57: {  	v9 =	vmul.f32 v9, v3;
	v3 =	vadd.f32 v11, v10  }
0x58: {  	v10 =	vadd.f32 v5, v13;
	v11 =	vadd.f32 v6, v12;
	v12 =	vmul.f32 v8, v2;
	v2 =	vmovc v4;
	v7 =	vld [tilespmem:s30+$0x600]  }
0x59: {  	v14 =	vadd.f32 $1.000000000e+00, v9;
	v5 =	vld [tilespmem:s30+$0x200];
	v4 =	vmul.f32 $-1.550099230e-06, v3;
	v13 =	vmul.f32 $-2.480158760e-05, v3  }
0x5a: {  	v9 =	vmul.f32 $-2.170138940e-05, v3;
	v6 =	vld [tilespmem:s30+$0x400];
	[tilespmem:s29+$0xE00] =	vst v10;
	v10 =	vmul.f32 v8, v0;
	v0 =	vmov v17  }
0x5b: {  	v15 =	vmul.f32 $-2.755731880e-06, v3;
	v4 =	vadd.f32 $2.604166800e-04, v4;
	v13 =	vadd.f32 $1.388888920e-03, v13  }
0x5c: {  	v8 =	vmul.f32 v8, v1;
	v1 =	vmov v19;
	v9 =	vadd.f32 $2.604166740e-03, v9;
	[tilespmem:s29+$0x1000] =	vst v11  }
0x5d: {  	v11 =	vmul.f32 v13, v3;
	v13 =	vadd.f32 $1.984127010e-04, v15;
	v15 =	vmul.f32 v0, v7;
	[tilespmem:s29+$0x1400] =	vst v12  }
0x5e: {  	v16 =	vmul.f32 v2, v7;
	v12 =	vmul.f32 v1, v5;
	[tilespmem:s29+$0x1600] =	vst v10  }
.Ltmp0:
0x5f: {  	v10 =	vadd.f32 $-4.166666790e-02, v11;
	v11 =	vmul.f32 v13, v3;
	v13 =	vmul.f32 v1, v6;
	[tilespmem:s29+$0x1800] =	vst v8;
	(pc) =	sbr.rel @p0 .LBB2_2-.Ltmp0, $4  }
0x60: {  	v8 =	vsub.f32 v12, v16;
	v12 =	vmul.f32 v2, v6;
	v16 =	vmul.f32 v0, v5;
	[tilespmem:s29+$0x1A00] =	vst v14;
	s29 =	smov.u32 s30  }
0x61: {  	v17 =	vmul.f32 v10, v3;
	v18 =	vadd.f32 $-8.333333770e-03, v11;
	v10 =	vsub.f32 v15, v13  }
0x62: {  	s30 =	sshra.s32 s31, $0x2;
	v13 =	vmul.f32 v4, v3;
	v12 =	vsub.f32 v12, v16;
	v14 =	vmul.f32 v8, v2  }
0x63: {  	s31 =	sadd.s32 $0x40, s31;
	v4 =	vld [tilespmem:s30+$0x800];
	v11 =	vadd.f32 $5.000000000e-01, v17;
	v15 =	vmul.f32 v18, v3;
	v16 =	vmul.f32 v10, v0  }
0x64: {  	v17 =	vld [tilespmem:s30+$0xA00];
	v9 =	vmul.f32 v9, v3  }
0x65: {  	v18 =	vmul.f32 v12, v0;
	v20 =	vmul.f32 v8, v1  }
0x66: {  	v15 =	vadd.f32 $1.666666720e-01, v15;
	v14 =	vsub.f32 v14, v16;
	v16 =	vld [tilespmem:s30+$0xC00];
	v19 =	vmul.f32 v11, v12  }
0x67: {  	v13 =	vadd.f32 $-2.083333400e-02, v13;
	v22 =	vmul.f32 v10, v1;
	v12 =	vmul.f32 v12, v2  }
0x68: {  	v10 =	vmul.f32 v11, v10;
	v14 =	vmul.f32 v15, v14;
	v7 =	vadd.f32 v19, v7  }
0x69: {  	v9 =	vadd.f32 $-1.250000000e-01, v9;
	v19 =	vmul.f32 v4, v4;
	v21 =	vmul.f32 v17, v17  }
0x6a: {  	v8 =	vmul.f32 v11, v8;
	v18 =	vsub.f32 v18, v20;
	v7 =	vadd.f32 v7, v14  }
0x6b: {  	v11 =	vmul.f32 v13, v3;
	v14 =	vadd.f32 v21, v19;
	v19 =	vmul.f32 v16, v16  }
0x6c: {  	v12 =	vsub.f32 v22, v12;
	v6 =	vadd.f32 v8, v6;
	[tilespmem:s29+$0x1200] =	vst v7  }
0x6d: {  	v8 =	vmul.f32 v15, v18;
	v11 =	vadd.f32 $5.000000000e-01, v11;
	v13 =	vld [tilespmem:s30+$0x200];
	v7 =	vadd.f32 v19, v14  }
0x6e: {  	v5 =	vadd.f32 v10, v5;
	v3 =	vmul.f32 v9, v3;
	v12 =	vmul.f32 v15, v12;
	v10 =	vld [tilespmem:s30+$0x600]  }
0x6f: {  	v2 =	vmul.f32 v11, v2;
	v9 =	vld [tilespmem:s30+$0x400];
	v14 =	vmul.f32 $-2.480158760e-05, v7  }
0x70: {  	v5 =	vadd.f32 v5, v8;
	v0 =	vmul.f32 v11, v0;
	v1 =	vmul.f32 v11, v1  }
0x71: {  	v8 =	vmul.f32 $-1.550099230e-06, v7;
	v15 =	vmul.f32 $-2.755731880e-06, v7;
	v14 =	vadd.f32 $1.388888920e-03, v14  }
0x72: {  	v6 =	vadd.f32 v6, v12;
	v12 =	vmul.f32 $-2.170138940e-05, v7;
	v18 =	vmul.f32 v16, v13  }
0x73: {  	v19 =	vmul.f32 v4, v10;
	v8 =	vadd.f32 $2.604166800e-04, v8;
	v11 =	vmul.f32 v14, v7  }
0x74: {  	v58 =	vmul.f32 v16, v9;
	v59 =	vmul.f32 v4, v9;
	v14 =	vadd.f32 $1.984127010e-04, v15  }
0x75: {  	v12 =	vadd.f32 $2.604166740e-03, v12;
	v15 =	vmul.f32 v17, v10;
	v11 =	vadd.f32 $-4.166666790e-02, v11  }
0x76: {  	v18 =	vsub.f32 v18, v19;
	v19 =	vmul.f32 v17, v13;
	v14 =	vmul.f32 v14, v7  }
0x77: {  	v8 =	vmul.f32 v8, v7;
	v11 =	vmul.f32 v11, v7  }
0x78: {  	[tilespmem:s29+$0x1000] =	vst v6;
	v6 =	vmul.f32 v12, v7;
	v15 =	vsub.f32 v15, v58;
	v14 =	vadd.f32 $-8.333333770e-03, v14  }
0x79: {  	v19 =	vsub.f32 v59, v19;
	v60 =	vmul.f32 v18, v4;
	v11 =	vadd.f32 $5.000000000e-01, v11  }
0x7a: {  	v61 =	vmul.f32 v15, v17;
	v14 =	vmul.f32 v14, v7  }
0x7b: {  	v3 =	vadd.f32 $1.000000000e+00, v3;
	v63 =	vmul.f32 v18, v16;
	v23 =	vmul.f32 v11, v19  }
0x7c: {  	v62 =	vmul.f32 v19, v17;
	v20 =	vsub.f32 v60, v61;
	v14 =	vadd.f32 $1.666666720e-01, v14  }
0x7d: {  	[tilespmem:s29+$0xE00] =	vst v5;
	v19 =	vmul.f32 v19, v4;
	v5 =	vadd.f32 v23, v10;
	v10 =	vmul.f32 v15, v16  }
0x7e: {  	v8 =	vadd.f32 $-2.083333400e-02, v8;
	v12 =	vsub.f32 v62, v63;
	v15 =	vmul.f32 v11, v15  }
0x7f: {  	[tilespmem:s29+$0x1400] =	vst v2;
	v2 =	vmul.f32 v14, v20;
	v11 =	vmul.f32 v11, v18;
	v10 =	vsub.f32 v10, v19  }
0x80: {  	[tilespmem:s29+$0x1600] =	vst v0;
	v0 =	vmul.f32 v8, v7;
	v12 =	vmul.f32 v14, v12;
	v8 =	vadd.f32 v15, v13  }
0x81: {  	[tilespmem:s29+$0x1800] =	vst v1;
	v1 =	vadd.f32 v5, v2;
	v2 =	vadd.f32 v11, v9;
	v5 =	vmul.f32 v14, v10  }
0x82: {  	[tilespmem:s29+$0x1A00] =	vst v3;
	v0 =	vadd.f32 $5.000000000e-01, v0;
	v3 =	vadd.f32 v8, v12  }
0x83: {  	v6 =	vadd.f32 $-1.250000000e-01, v6;
	[tilespmem:s30+$0x1200] =	vst v1;
	v1 =	vadd.f32 v2, v5  }
0x84: {  	v2 =	vmul.f32 v0, v4;
	[tilespmem:s30+$0xE00] =	vst v3  }
0x85: {  	v3 =	vmul.f32 v6, v7;
	v4 =	vmul.f32 v0, v17;
	[tilespmem:s30+$0x1000] =	vst v1  }
0x86: {  	v0 =	vmul.f32 v0, v16;
	[tilespmem:s30+$0x1400] =	vst v2  }
0x87: {  	v1 =	vadd.f32 $1.000000000e+00, v3;
	[tilespmem:s30+$0x1600] =	vst v4  }
0x88: {  	[tilespmem:s30+$0x1800] =	vst v0  }
0x89: {  	s29 =	simm.s32 $0xE00;
	[tilespmem:s30+$0x1A00] =	vst v1  }
0x8a: {  	[hbm4b:s10+s2] =	stream.linear.scatter [tilespmem:s29], [sflag:$0x1], $0x100, $0x38;
	[tilespmem:$0x1C00] =	vst v63  }
0x8b: {  	s29 =	simm.s32 $0x1000  }
0x8c: {  	[hbm4b:s11+s2] =	stream.linear.scatter [tilespmem:s29], [sflag:$0x1], $0x100, $0x38;
	[tilespmem:$0x1C00] =	vst v63  }
0x8d: {  	s29 =	simm.s32 $0x1200  }
0x8e: {  	[hbm4b:s12+s2] =	stream.linear.scatter [tilespmem:s29], [sflag:$0x1], $0x100, $0x38;
	[tilespmem:$0x1C00] =	vst v63  }
0x8f: {  	s29 =	simm.s32 $0x1400  }
0x90: {  	[hbm4b:s13+s2] =	stream.linear.scatter [tilespmem:s29], [sflag:$0x1], $0x100, $0x38;
	[tilespmem:$0x1C00] =	vst v63  }
0x91: {  	s29 =	simm.s32 $0x1600  }
0x92: {  	[hbm4b:s14+s2] =	stream.linear.scatter [tilespmem:s29], [sflag:$0x1], $0x100, $0x38;
	[tilespmem:$0x1C00] =	vst v63  }
0x93: {  	s29 =	simm.s32 $0x1800  }
0x94: {  	[hbm4b:s15+s2] =	stream.linear.scatter [tilespmem:s29], [sflag:$0x1], $0x100, $0x38;
	[tilespmem:$0x1C00] =	vst v63  }
0x95: {  	s29 =	simm.s32 $0x1A00  }
0x96: {  	[hbm4b:s16+s2] =	stream.linear.scatter [tilespmem:s29], [sflag:$0x1], $0x100, $0x38;
	[tilespmem:$0x1C00] =	vst v63  }
0x97: {  	_ =	swait.ge [sflag:s28], $0x100  }
0x98: {  	[sflag:s28] =	ssyncset.done $0x0  }
0x99: {  	[sflag:s28] =	ssyncadd.s32 $0xFFFFFF00  }
0x9a: {  	_ =	swait.ge [sflag:s28], $0x100  }
0x9b: {  	[sflag:s28] =	ssyncset.done $0x0  }
0x9c: {  	[sflag:s28] =	ssyncadd.s32 $0xFFFFFF00  }
0x9d: {  	_ =	swait.ge [sflag:s28], $0x100  }
0x9e: {  	[sflag:s28] =	ssyncset.done $0x0  }
0x9f: {  	[sflag:s28] =	ssyncadd.s32 $0xFFFFFF00  }
0xa0: {  	_ =	swait.ge [sflag:s28], $0x100  }
0xa1: {  	[sflag:s28] =	ssyncset.done $0x0  }
0xa2: {  	[sflag:s28] =	ssyncadd.s32 $0xFFFFFF00  }
0xa3: {  	_ =	swait.ge [sflag:s28], $0x100  }
0xa4: {  	[sflag:s28] =	ssyncset.done $0x0  }
0xa5: {  	[sflag:s28] =	ssyncadd.s32 $0xFFFFFF00  }
0xa6: {  	_ =	swait.ge [sflag:s28], $0x100  }
0xa7: {  	[sflag:s28] =	ssyncset.done $0x0  }
0xa8: {  	s29 =	simm.s32 $0x100;
	[sflag:s28] =	ssyncadd.s32 $0xFFFFFF00  }
0xa9: {  	v2 =	vld [tilespmem:s29+$0x800]  }
0xaa: {  	v0 =	vld [tilespmem:s29+$0xA00];
	_ =	sdelay $0x1  }
0xab: {  	v1 =	vld [tilespmem:s29+$0xC00];
	_ =	sdelay $0x2  }
0xac: {  	v3 =	vmul.f32 v2, v2;
	v4 =	vmul.f32 v0, v0;
	_ =	sdelay $0x1  }
0xad: {  	v3 =	vadd.f32 v4, v3;
	v4 =	vmul.f32 v1, v1;
	_ =	sdelay $0x1  }
0xae: {  	v7 =	vld [tilespmem:s29+$0x600];
	v3 =	vadd.f32 v4, v3;
	_ =	sdelay $0x1  }
0xaf: {  	v5 =	vld [tilespmem:s29+$0x200];
	v4 =	vmul.f32 $-2.480158760e-05, v3  }
0xb0: {  	v6 =	vld [tilespmem:s29+$0x400]  }
0xb1: {  	v8 =	vmul.f32 $-1.550099230e-06, v3;
	v9 =	vmul.f32 $-2.755731880e-06, v3;
	v4 =	vadd.f32 $1.388888920e-03, v4  }
0xb2: {  	v12 =	vmul.f32 v0, v7;
	v10 =	vmul.f32 $-2.170138940e-05, v3  }
0xb3: {  	v11 =	vadd.f32 $2.604166800e-04, v8;
	v8 =	vadd.f32 $1.984127010e-04, v9;
	v4 =	vmul.f32 v4, v3  }
0xb4: {  	v13 =	vmul.f32 v2, v7;
	v9 =	vadd.f32 $2.604166740e-03, v10;
	v10 =	vmul.f32 v1, v5  }
0xb5: {  	v15 =	vmul.f32 v1, v6;
	v14 =	vmul.f32 v8, v3;
	v4 =	vadd.f32 $-4.166666790e-02, v4  }
0xb6: {  	v16 =	vmul.f32 v2, v6;
	v17 =	vmul.f32 v0, v5;
	v8 =	vsub.f32 v10, v13  }
0xb7: {  	v10 =	vsub.f32 v12, v15;
	v19 =	vadd.f32 $-8.333333770e-03, v14;
	v18 =	vmul.f32 v4, v3  }
0xb8: {  	s30 =	simm.s32 $0x110;
	v13 =	vmul.f32 v11, v3;
	v12 =	vsub.f32 v16, v17;
	v14 =	vmul.f32 v8, v2  }
0xb9: {  	s31 =	simm.s32 $0x480;
	v16 =	vmul.f32 v10, v0;
	v4 =	vld [tilespmem:s30+$0x800];
	v15 =	vmul.f32 v19, v3;
	v11 =	vadd.f32 $5.000000000e-01, v18  }
.LBB2_4:
0xba: {  	p0 =	sne.s32 s31, $0x7C0;
	v17 =	vld [tilespmem:s30+$0xA00];
	v13 =	vadd.f32 $-2.083333400e-02, v13;
	v9 =	vmul.f32 v9, v3;
	v18 =	vmul.f32 v12, v0  }
0xbb: {  	v15 =	vadd.f32 $1.666666720e-01, v15;
	v14 =	vsub.f32 v14, v16;
	v16 =	vmul.f32 v11, v12  }
0xbc: {  	v20 =	vmul.f32 v8, v1;
	v21 =	vmul.f32 v10, v1;
	v19 =	vld [tilespmem:s30+$0xC00];
	v9 =	vadd.f32 $-1.250000000e-01, v9  }
0xbd: {  	v12 =	vmul.f32 v12, v2;
	v7 =	vadd.f32 v16, v7;
	v14 =	vmul.f32 v15, v14  }
0xbe: {  	v10 =	vmul.f32 v11, v10;
	v8 =	vmul.f32 v11, v8;
	v16 =	vsub.f32 v18, v20  }
0xbf: {  	v11 =	vmul.f32 v4, v4;
	v18 =	vmul.f32 v17, v17;
	v7 =	vadd.f32 v7, v14  }
0xc0: {  	v13 =	vmul.f32 v13, v3;
	v12 =	vsub.f32 v21, v12;
	v5 =	vadd.f32 v10, v5  }
0xc1: {  	v6 =	vadd.f32 v8, v6;
	v10 =	vadd.f32 v18, v11;
	v11 =	vmul.f32 v19, v19;
	[tilespmem:s29+$0x1200] =	vst v7  }
0xc2: {  	v8 =	vadd.f32 $5.000000000e-01, v13;
	v13 =	vmul.f32 v15, v16;
	v12 =	vmul.f32 v15, v12  }
0xc3: {  	v9 =	vmul.f32 v9, v3;
	v3 =	vadd.f32 v11, v10  }
0xc4: {  	v10 =	vadd.f32 v5, v13;
	v11 =	vadd.f32 v6, v12;
	v12 =	vmul.f32 v8, v2;
	v2 =	vmovc v4;
	v7 =	vld [tilespmem:s30+$0x600]  }
0xc5: {  	v14 =	vadd.f32 $1.000000000e+00, v9;
	v5 =	vld [tilespmem:s30+$0x200];
	v4 =	vmul.f32 $-1.550099230e-06, v3;
	v13 =	vmul.f32 $-2.480158760e-05, v3  }
0xc6: {  	v9 =	vmul.f32 $-2.170138940e-05, v3;
	v6 =	vld [tilespmem:s30+$0x400];
	[tilespmem:s29+$0xE00] =	vst v10;
	v10 =	vmul.f32 v8, v0;
	v0 =	vmov v17  }
0xc7: {  	v15 =	vmul.f32 $-2.755731880e-06, v3;
	v4 =	vadd.f32 $2.604166800e-04, v4;
	v13 =	vadd.f32 $1.388888920e-03, v13  }
0xc8: {  	v8 =	vmul.f32 v8, v1;
	v1 =	vmov v19;
	v9 =	vadd.f32 $2.604166740e-03, v9;
	[tilespmem:s29+$0x1000] =	vst v11  }
0xc9: {  	v11 =	vmul.f32 v13, v3;
	v13 =	vadd.f32 $1.984127010e-04, v15;
	v15 =	vmul.f32 v0, v7;
	[tilespmem:s29+$0x1400] =	vst v12  }
0xca: {  	v16 =	vmul.f32 v2, v7;
	v12 =	vmul.f32 v1, v5;
	[tilespmem:s29+$0x1600] =	vst v10  }
.Ltmp1:
0xcb: {  	v10 =	vadd.f32 $-4.166666790e-02, v11;
	v11 =	vmul.f32 v13, v3;
	v13 =	vmul.f32 v1, v6;
	[tilespmem:s29+$0x1800] =	vst v8;
	(pc) =	sbr.rel @p0 .LBB2_4-.Ltmp1, $4  }
0xcc: {  	v8 =	vsub.f32 v12, v16;
	v12 =	vmul.f32 v2, v6;
	v16 =	vmul.f32 v0, v5;
	[tilespmem:s29+$0x1A00] =	vst v14;
	s29 =	smov.u32 s30  }
0xcd: {  	v17 =	vmul.f32 v10, v3;
	v18 =	vadd.f32 $-8.333333770e-03, v11;
	v10 =	vsub.f32 v15, v13  }
0xce: {  	s30 =	sshra.s32 s31, $0x2;
	v13 =	vmul.f32 v4, v3;
	v12 =	vsub.f32 v12, v16;
	v14 =	vmul.f32 v8, v2  }
0xcf: {  	s31 =	sadd.s32 $0x40, s31;
	v4 =	vld [tilespmem:s30+$0x800];
	v11 =	vadd.f32 $5.000000000e-01, v17;
	v15 =	vmul.f32 v18, v3;
	v16 =	vmul.f32 v10, v0  }
0xd0: {  	v9 =	vmul.f32 v9, v3  }
0xd1: {  	v17 =	vld [tilespmem:s30+$0xA00];
	v15 =	vadd.f32 $1.666666720e-01, v15;
	v14 =	vsub.f32 v14, v16;
	v19 =	vmul.f32 v11, v12  }
0xd2: {  	v18 =	vmul.f32 v12, v0;
	v13 =	vadd.f32 $-2.083333400e-02, v13;
	v20 =	vmul.f32 v8, v1;
	v16 =	vld [tilespmem:s30+$0xC00]  }
0xd3: {  	v22 =	vmul.f32 v10, v1;
	v14 =	vmul.f32 v15, v14;
	v7 =	vadd.f32 v19, v7  }
0xd4: {  	v61 =	vmul.f32 v12, v2;
	v9 =	vadd.f32 $-1.250000000e-01, v9;
	v18 =	vsub.f32 v18, v20  }
0xd5: {  	v20 =	vmul.f32 v11, v10;
	v23 =	vmul.f32 v13, v3;
	v7 =	vadd.f32 v7, v14  }
0xd6: {  	v12 =	vsub.f32 v22, v61;
	v60 =	vmul.f32 v4, v4;
	v21 =	vmul.f32 v17, v17  }
0xd7: {  	v5 =	vadd.f32 v20, v5;
	v25 =	vmul.f32 v15, v18;
	v63 =	vmul.f32 v16, v16;
	[tilespmem:s29+$0x1200] =	vst v7  }
0xd8: {  	v62 =	vadd.f32 v21, v60;
	v21 =	vmul.f32 v11, v8;
	v11 =	vadd.f32 $5.000000000e-01, v23;
	v26 =	vld [tilespmem:s30+$0x600]  }
0xd9: {  	v12 =	vmul.f32 v15, v12;
	v28 =	vmul.f32 v9, v3;
	v27 =	vld [tilespmem:s30+$0x200]  }
0xda: {  	v5 =	vadd.f32 v5, v25;
	v31 =	vld [tilespmem:s30+$0x400];
	v24 =	vadd.f32 v63, v62;
	v30 =	vmul.f32 v11, v2  }
0xdb: {  	v6 =	vadd.f32 v21, v6;
	v34 =	vmul.f32 v11, v0;
	v35 =	vmul.f32 v11, v1  }
0xdc: {  	v3 =	vadd.f32 $1.000000000e+00, v28;
	v14 =	vmul.f32 $-2.480158760e-05, v24;
	v29 =	vmul.f32 $-1.550099230e-06, v24  }
0xdd: {  	v32 =	vmul.f32 $-2.755731880e-06, v24;
	v6 =	vadd.f32 v6, v12;
	v33 =	vmul.f32 $-2.170138940e-05, v24  }
0xde: {  	v14 =	vadd.f32 $1.388888920e-03, v14;
	v38 =	vmul.f32 v17, v26;
	v39 =	vmul.f32 v16, v27  }
0xdf: {  	v37 =	vadd.f32 $1.984127010e-04, v32;
	v40 =	vmul.f32 v4, v26;
	v41 =	vmul.f32 v16, v31  }
0xe0: {  	v8 =	vadd.f32 $2.604166800e-04, v29;
	v42 =	vmul.f32 v4, v31;
	v43 =	vmul.f32 v17, v27  }
0xe1: {  	v12 =	vadd.f32 $2.604166740e-03, v33;
	v36 =	vmul.f32 v14, v24;
	v14 =	vmul.f32 v37, v24  }
0xe2: {  	v18 =	vsub.f32 v39, v40;
	v15 =	vsub.f32 v38, v41;
	v8 =	vmul.f32 v8, v24  }
0xe3: {  	v19 =	vsub.f32 v42, v43;
	v50 =	vmul.f32 v12, v24;
	v11 =	vadd.f32 $-4.166666790e-02, v36  }
0xe4: {  	v14 =	vadd.f32 $-8.333333770e-03, v14;
	v44 =	vmul.f32 v18, v4;
	v45 =	vmul.f32 v15, v17  }
0xe5: {  	v8 =	vadd.f32 $-2.083333400e-02, v8;
	v46 =	vmul.f32 v19, v17;
	v11 =	vmul.f32 v11, v24  }
0xe6: {  	[tilespmem:s29+$0x1000] =	vst v6;
	v47 =	vmul.f32 v18, v16;
	v6 =	vadd.f32 $-1.250000000e-01, v50;
	v14 =	vmul.f32 v14, v24  }
0xe7: {  	[tilespmem:s29+$0xE00] =	vst v5;
	v49 =	vmul.f32 v15, v16;
	v53 =	vmul.f32 v8, v24;
	v11 =	vadd.f32 $5.000000000e-01, v11  }
0xe8: {  	[tilespmem:s29+$0x1A00] =	vst v3;
	v20 =	vsub.f32 v44, v45;
	v61 =	vmul.f32 v6, v24;
	v14 =	vadd.f32 $1.666666720e-01, v14  }
0xe9: {  	[tilespmem:s29+$0x1400] =	vst v30;
	v0 =	vadd.f32 $5.000000000e-01, v53;
	v23 =	vmul.f32 v11, v19;
	v19 =	vmul.f32 v19, v4  }
0xea: {  	[tilespmem:s29+$0x1600] =	vst v34;
	v63 =	vadd.f32 $1.000000000e+00, v61;
	v15 =	vmul.f32 v11, v15;
	v52 =	vmul.f32 v14, v20  }
0xeb: {  	[tilespmem:s29+$0x1800] =	vst v35;
	v51 =	vsub.f32 v46, v47;
	v11 =	vmul.f32 v11, v18;
	v60 =	vmul.f32 v0, v4  }
0xec: {  	v62 =	vmul.f32 v0, v17;
	[tilespmem:s30+$0x1A00] =	vst v63;
	v48 =	vadd.f32 v23, v26;
	v10 =	vsub.f32 v49, v19  }
0xed: {  	v12 =	vmul.f32 v14, v51;
	v0 =	vmul.f32 v0, v16;
	v54 =	vadd.f32 v15, v27;
	[tilespmem:s30+$0x1400] =	vst v60  }
0xee: {  	v56 =	vadd.f32 v11, v31;
	[tilespmem:s30+$0x1600] =	vst v62;
	v55 =	vadd.f32 v48, v52;
	v57 =	vmul.f32 v14, v10  }
0xef: {  	[tilespmem:s30+$0x1800] =	vst v0;
	v58 =	vadd.f32 v54, v12  }
0xf0: {  	[tilespmem:s30+$0x1200] =	vst v55;
	v59 =	vadd.f32 v56, v57  }
0xf1: {  	[tilespmem:s30+$0xE00] =	vst v58  }
0xf2: {  	[tilespmem:s30+$0x1000] =	vst v59;
	s30 =	simm.s32 $0xF00  }
0xf3: {  	[hbm4b:s17+s2] =	stream.linear.scatter [tilespmem:s30], [sflag:$0x1], $0x100, $0x38;
	[tilespmem:$0x1C00] =	vst v63  }
0xf4: {  	s31 =	simm.s32 $0x1100  }
0xf5: {  	[hbm4b:s18+s2] =	stream.linear.scatter [tilespmem:s31], [sflag:$0x1], $0x100, $0x38;
	[tilespmem:$0x1C00] =	vst v63  }
0xf6: {  	s30 =	simm.s32 $0x1300  }
0xf7: {  	[hbm4b:s19+s2] =	stream.linear.scatter [tilespmem:s30], [sflag:$0x1], $0x100, $0x38;
	[tilespmem:$0x1C00] =	vst v63  }
0xf8: {  	s31 =	simm.s32 $0x1500  }
0xf9: {  	[hbm4b:s20+s2] =	stream.linear.scatter [tilespmem:s31], [sflag:$0x1], $0x100, $0x38;
	[tilespmem:$0x1C00] =	vst v63  }
0xfa: {  	s30 =	simm.s32 $0x1700  }
0xfb: {  	[hbm4b:s21+s2] =	stream.linear.scatter [tilespmem:s30], [sflag:$0x1], $0x100, $0x38;
	[tilespmem:$0x1C00] =	vst v63  }
0xfc: {  	s31 =	simm.s32 $0x1900  }
0xfd: {  	[hbm4b:s22+s2] =	stream.linear.scatter [tilespmem:s31], [sflag:$0x1], $0x100, $0x38;
	[tilespmem:$0x1C00] =	vst v63  }
0xfe: {  	_ = 	snop  }
0xff: {  	[hbm4b:s23+s2] =	stream.linear.scatter [tilespmem:s0], [sflag:$0x1], $0x100, $0x38;
	[tilespmem:$0x1C00] =	vst v63  }
0x100: {  	_ =	swait.ge [sflag:s28], $0x100  }
0x101: {  	[sflag:s28] =	ssyncset.done $0x0  }
0x102: {  	[sflag:s28] =	ssyncadd.s32 $0xFFFFFF00  }
0x103: {  	_ =	swait.ge [sflag:s28], $0x100  }
0x104: {  	[sflag:s28] =	ssyncset.done $0x0  }
0x105: {  	[sflag:s28] =	ssyncadd.s32 $0xFFFFFF00  }
0x106: {  	_ =	swait.ge [sflag:s28], $0x100  }
0x107: {  	[sflag:s28] =	ssyncset.done $0x0  }
0x108: {  	[sflag:s28] =	ssyncadd.s32 $0xFFFFFF00  }
0x109: {  	_ =	swait.ge [sflag:s28], $0x100  }
0x10a: {  	[sflag:s28] =	ssyncset.done $0x0  }
0x10b: {  	[sflag:s28] =	ssyncadd.s32 $0xFFFFFF00  }
0x10c: {  	_ =	swait.ge [sflag:s28], $0x100  }
0x10d: {  	[sflag:s28] =	ssyncset.done $0x0  }
0x10e: {  	[sflag:s28] =	ssyncadd.s32 $0xFFFFFF00  }
0x10f: {  	_ =	swait.ge [sflag:s28], $0x100  }
0x110: {  	[sflag:s28] =	ssyncset.done $0x0  }
0x111: {  	[sflag:s28] =	ssyncadd.s32 $0xFFFFFF00  }
0x112: {  	_ =	swait.ge [sflag:s28], $0x100  }
0x113: {  	[sflag:s28] =	ssyncset.done $0x0  }
0x114: {  	[sflag:s28] =	ssyncadd.s32 $0xFFFFFF00  }
0x115: {  	_ =	swait.ge [sflag:s28], $0x100  }
0x116: {  	[sflag:s28] =	ssyncset.done $0x0  }
0x117: {  	[sflag:s28] =	ssyncadd.s32 $0xFFFFFF00  }
0x118: {  	_ =	swait.ge [sflag:s28], $0x100  }
0x119: {  	[sflag:s28] =	ssyncset.done $0x0  }
0x11a: {  	[sflag:s28] =	ssyncadd.s32 $0xFFFFFF00  }
0x11b: {  	_ =	swait.ge [sflag:s28], $0x100  }
0x11c: {  	[sflag:s28] =	ssyncset.done $0x0  }
0x11d: {  	[sflag:s28] =	ssyncadd.s32 $0xFFFFFF00  }
0x11e: {  	_ =	swait.ge [sflag:s28], $0x100  }
0x11f: {  	[sflag:s28] =	ssyncset.done $0x0  }
0x120: {  	[sflag:s28] =	ssyncadd.s32 $0xFFFFFF00  }
0x121: {  	_ =	swait.ge [sflag:s28], $0x100  }
0x122: {  	[sflag:s28] =	ssyncset.done $0x0  }
0x123: {  	s1 =	sadd.s32 $0x1, s1;
	[sflag:s28] =	ssyncadd.s32 $0xFFFFFF00  }
0x124: {  	p0 =	sne.s32 s1, s24;
	_ =	swait.ge [sflag:s28], $0x100  }
.Ltmp2:
0x125: {  	[sflag:s28] =	ssyncset.done $0x0;
	(pc) =	sbr.rel @p0 .LBB2_1-.Ltmp2, $4  }
0x126: {  	[sflag:s28] =	ssyncadd.s32 $0xFFFFFF00  }
0x127: {  	_ =	swait.ge [sflag:s28], $0x100  }
0x128: {  	[sflag:s28] =	ssyncset.done $0x0  }
0x129: {  	[sflag:s28] =	ssyncadd.s32 $0xFFFFFF00  }
0x12a: {  	_ =	sfence.sel $0x180000  }
0x12b: {  	[bflag:$0x0] =	sbarrier.arrive $0xFFFF  }
0x12c: {  	_ =	strace $0x90000047  }
0x12d: {  	s0 =	stileid.u32;
	[bflag:$0x2] =	sbarrier.arrive $0xFFFF  }
0x12e: {  	p0 =	sne.s32 s0, $0x0;
	s0 =	rddreg [dreg:$0x2]  }
0x12f: {  	s0 =	sadd.s32 @!p0 $0x100000, s0  }
0x130: {  	[sflag:s0] =	ssyncadd.tile.s32 @!p0 $0x1;
	_ =	shalt  }
.Lfunc_end2:
_tile_overlayer_lowered:
.L_overlay_start_2:
0x131: {  	(tag) =	ssettag $0x2  }
0x132: {  	s0 =	rddreg [dreg:$0x0];
	s2 =	stileid.u32  }
0x133: {  	s1 =	rddreg [dreg:$0x1];
	p0 =	sne.s32 s2, $0x0  }
0x134: {  	s3 =	rddreg [dreg:$0x2];
	[bflag:$0x3] =	sbarrier.arrive $0xFFFF;
	s2 =	simm.s32 @!p0 $0x1C02  }
0x135: {  	[timem:s3], [sflag:s2] =	dma.local @!p0 [hbm:s0], s1  }
0x136: {  	s0 =	simm.s32 @!p0 $0x2  }
0x137: {  	_ =	swait.ge @!p0 [sflag:s0], s1  }
0x138: {  	s1 =	ssub.s32 @!p0 $0x0, s1;
	[sflag:s0] =	ssyncset.done @!p0 $0x0  }
0x139: {  	[sflag:s0] =	ssyncadd.s32 @!p0 s1  }
0x13a: {  	[bflag:$0x3] =	sbarrier.arrive $0xFFFF  }
0x13b: {  	_ =	shalt  }

</sc_bundles>
